<compile_context>
chip_gen: v7x
topology: tpu7x:2x2x1
jax: 0.10.2.dev20260603
libtpu: 0.0.44.dev20260713+nightly
codegen_flags: <defaults>
</compile_context>

<pallas_src>
import functools

import jax
import jax.numpy as jnp
from jax import lax
from jax.experimental import pallas as pl
from jax.experimental.pallas import tpu as pltpu
from jax.experimental.pallas import tpu_sc as plsc

_B = 16384
_F = 26
_V = 100000
_D = 16
_C = 13
_H = 512
_O = 10
_EPS = 1e-5

_NC, _NS = 2, 16
_NW = _NC * _NS
_NR = _F * _D
_RPW = _NR // _NW
_QB = _B // 4


def _sc_gather_t(table, idx_t):
    mesh = plsc.VectorSubcoreMesh(core_axis_name="c", subcore_axis_name="s")

    @functools.partial(
        pl.kernel,
        out_type=jax.ShapeDtypeStruct((_NR, _B), jnp.float32),
        mesh=mesh,
        scratch_types=[
            pltpu.VMEM((_V,), jnp.float32),
            pltpu.VMEM((_B,), jnp.int32),
            pltpu.VMEM((_QB,), jnp.float32),
            pltpu.VMEM((_QB,), jnp.float32),
            pltpu.SemaphoreType.DMA,
            pltpu.SemaphoreType.DMA,
            pltpu.SemaphoreType.DMA,
        ],
        compiler_params=pltpu.CompilerParams(
            use_tc_tiling_on_sc=True, needs_layout_passes=False),
    )
    def k(table_hbm, idx_hbm, out_hbm, row_v, idx_v, o_a, o_b,
          sem_a, sem_b, sem_r0):
        wid = lax.axis_index("s") * _NC + lax.axis_index("c")

        def gather_q(j, q, buf):
            @plsc.parallel_loop(0, _QB, step=16, unroll=16)
            def gat(i):
                iv = idx_v[pl.ds(q * _QB + i, 16)]
                buf[pl.ds(i, 16)] = plsc.load_gather(row_v, [iv])

        def do_row(r, f_prev):
            j = wid * _RPW + r
            f = j // _D
            h_r0 = pltpu.async_copy(table_hbm.at[j], row_v, sem_r0)

            @pl.when(f != f_prev)
            def _():
                pltpu.sync_copy(idx_hbm.at[f], idx_v)

            @pl.when(r > 0)
            def _():
                pltpu.make_async_copy(
                    out_hbm.at[j, pl.ds(2 * _QB, _QB)], o_a, sem_a).wait()
                pltpu.make_async_copy(
                    out_hbm.at[j, pl.ds(3 * _QB, _QB)], o_b, sem_b).wait()

            h_r0.wait()
            gather_q(j, 0, o_a)
            h_a0 = pltpu.async_copy(
                o_a, out_hbm.at[j, pl.ds(0 * _QB, _QB)], sem_a)
            gather_q(j, 1, o_b)
            h_b0 = pltpu.async_copy(
                o_b, out_hbm.at[j, pl.ds(1 * _QB, _QB)], sem_b)
            h_a0.wait()
            gather_q(j, 2, o_a)
            pltpu.async_copy(o_a, out_hbm.at[j, pl.ds(2 * _QB, _QB)], sem_a)
            h_b0.wait()
            gather_q(j, 3, o_b)
            pltpu.async_copy(o_b, out_hbm.at[j, pl.ds(3 * _QB, _QB)], sem_b)
            return f

        lax.fori_loop(0, _RPW, do_row, jnp.int32(-1), unroll=False)
        last = wid * _RPW + _RPW - 1
        pltpu.make_async_copy(
            out_hbm.at[last, pl.ds(2 * _QB, _QB)], o_a, sem_a).wait()
        pltpu.make_async_copy(
            out_hbm.at[last, pl.ds(3 * _QB, _QB)], o_b, sem_b).wait()

    return k(table, idx_t)


_R = 1024
_G = _B // _R


def _xcstat_body(xc_ref, gc_ref, bc_ref, stat_ref):
    xc = xc_ref[...]
    m = jnp.mean(xc, axis=0, keepdims=True)
    v = jnp.mean(xc * xc, axis=0, keepdims=True) - m * m
    scale = gc_ref[...] * lax.rsqrt(v + _EPS)
    shift = bc_ref[...] - m * scale
    stat_ref[0:1, :] = scale
    stat_ref[1:2, :] = shift


def _bn_coefs(s_ref, g_ref, bt_ref):
    m = s_ref[0:1, :] * (1.0 / _B)
    v = s_ref[1:2, :] * (1.0 / _B) - m * m
    scale = g_ref[...] * lax.rsqrt(v + _EPS)
    shift = bt_ref[...] - m * scale
    return scale, shift


def _mlp_body(et_ref, xc_ref, stat_ref, w1e_ref, w1c_ref, b1_ref,
              g1_ref, bt1_ref, w2_ref, b2_ref, g2_ref, bt2_ref,
              w3_ref, b3_ref, out_ref, a1_ref, a2_ref, s1_ref, s2_ref):
    t = pl.program_id(0)
    i = pl.program_id(1)

    @pl.when(t == 0)
    def _():
        xcn = xc_ref[...] * stat_ref[0:1, :] + stat_ref[1:2, :]
        h = lax.dot_general(et_ref[...], w1e_ref[...],
                            (((0,), (0,)), ((), ())),
                            preferred_element_type=jnp.float32)
        h += jnp.dot(xcn, w1c_ref[...], preferred_element_type=jnp.float32)
        a1 = jnp.maximum(h + b1_ref[...], 0.0)
        a1_ref[pl.ds(i * _R, _R), :] = a1

        @pl.when(i == 0)
        def _():
            s1_ref[...] = jnp.zeros_like(s1_ref)

        s1_ref[0:1, :] += jnp.sum(a1, axis=0, keepdims=True)
        s1_ref[1:2, :] += jnp.sum(a1 * a1, axis=0, keepdims=True)

    @pl.when(t == 1)
    def _():
        scale, shift = _bn_coefs(s1_ref, g1_ref, bt1_ref)
        a1n = a1_ref[pl.ds(i * _R, _R), :] * scale + shift
        a2 = jnp.maximum(
            jnp.dot(a1n, w2_ref[...], preferred_element_type=jnp.float32)
            + b2_ref[...], 0.0)
        a2_ref[pl.ds(i * _R, _R), :] = a2

        @pl.when(i == 0)
        def _():
            s2_ref[...] = jnp.zeros_like(s2_ref)

        s2_ref[0:1, :] += jnp.sum(a2, axis=0, keepdims=True)
        s2_ref[1:2, :] += jnp.sum(a2 * a2, axis=0, keepdims=True)

    @pl.when(t == 2)
    def _():
        scale, shift = _bn_coefs(s2_ref, g2_ref, bt2_ref)
        a2n = a2_ref[pl.ds(i * _R, _R), :] * scale + shift
        out_ref[...] = (
            jnp.dot(a2n, w3_ref[...], preferred_element_type=jnp.float32)
            + b3_ref[...])


def _row(x):
    return x.reshape(1, -1)


def kernel(x_cont, x_cat, emb, gamma_c, beta_c, W1, b1, g1, bt1,
           W2, b2, g2, bt2, W3, b3):
    table = emb.transpose(0, 2, 1).reshape(_NR, _V)
    idx_t = x_cat.T

    e_t = _sc_gather_t(table, idx_t)

    stat_c = pl.pallas_call(
        _xcstat_body,
        in_specs=[
            pl.BlockSpec((_B, _C), lambda: (0, 0)),
            pl.BlockSpec((1, _C), lambda: (0, 0)),
            pl.BlockSpec((1, _C), lambda: (0, 0)),
        ],
        out_specs=pl.BlockSpec((2, _C), lambda: (0, 0)),
        out_shape=jax.ShapeDtypeStruct((2, _C), jnp.float32),
    )(x_cont, _row(gamma_c), _row(beta_c))

    full = lambda s: pl.BlockSpec(s, lambda t, i: tuple(0 for _ in s))
    p0blk = lambda r, c: pl.BlockSpec((r, c), lambda t, i: (i * (t == 0), 0))
    et_spec = pl.BlockSpec((_NR, _R), lambda t, i: (0, i * (t == 0)))

    out = pl.pallas_call(
        _mlp_body,
        grid=(3, _G),
        in_specs=[
            et_spec,
            p0blk(_R, _C),
            full((2, _C)),
            full((_NR, _H)),
            full((_C, _H)),
            full((1, _H)),
            full((1, _H)),
            full((1, _H)),
            full((_H, _H // 2)),
            full((1, _H // 2)),
            full((1, _H // 2)),
            full((1, _H // 2)),
            full((_H // 2, _O)),
            full((1, _O)),
        ],
        out_specs=pl.BlockSpec((_R, _O), lambda t, i: (i * (t == 2), 0)),
        out_shape=jax.ShapeDtypeStruct((_B, _O), jnp.float32),
        scratch_shapes=[
            pltpu.VMEM((_B, _H), jnp.float32),
            pltpu.VMEM((_B, _H // 2), jnp.float32),
            pltpu.VMEM((2, _H), jnp.float32),
            pltpu.VMEM((2, _H // 2), jnp.float32),
        ],
        compiler_params=pltpu.CompilerParams(
            vmem_limit_bytes=100 * 1024 * 1024),
    )(e_t, x_cont, stat_c, W1[:_NR], W1[_NR:], _row(b1),
      _row(g1), _row(bt1), W2, _row(b2), _row(g2), _row(bt2),
      W3, _row(b3))

    return out

# --- scband reference (transcript-rebuilt; emitter-appended) ---
"""Pipeline reference for scband-classifier-81458349736247 (READ-ONLY COPY).

The authoritative reference and input builder live on the scoring server;
editing this copy changes nothing except your own understanding.
"""

import jax, jax.numpy as jnp
import numpy as np

B = 16384
F = 26
V = 100000
D = 16
C = 13
H = 512
O = 10


def _batchnorm(x, g, b, eps=1e-5):
    m = jnp.mean(x, axis=0)
    v = jnp.var(x, axis=0)
    return (x - m) / jnp.sqrt(v + eps) * g + b


def setup_inputs(seed: int = 0) -> dict:
    key = jax.random.key(seed)
    ks = jax.random.split(key, 12)
    x_cont = jax.random.normal(ks[0], (B, C), dtype=jnp.float32)
    x_cat = jax.random.randint(ks[1], (B, F), 0, V, dtype=jnp.int32)
    # stacked embedding tables (all fields have vocab V, dim D)
    emb = jax.random.normal(ks[2], (F, V, D), dtype=jnp.float32) * jnp.sqrt(2.0 / V)
    gamma_c = jnp.ones((C,), dtype=jnp.float32)
    beta_c = jnp.zeros((C,), dtype=jnp.float32)
    n_in = F * D + C
    W1 = jax.random.normal(ks[3], (n_in, H), dtype=jnp.float32) * jnp.sqrt(2.0 / n_in)
    b1 = jnp.zeros((H,), dtype=jnp.float32)
    g1 = jnp.ones((H,), dtype=jnp.float32)
    bt1 = jnp.zeros((H,), dtype=jnp.float32)
    W2 = jax.random.normal(ks[4], (H, H // 2), dtype=jnp.float32) * jnp.sqrt(2.0 / H)
    b2 = jnp.zeros((H // 2,), dtype=jnp.float32)
    g2 = jnp.ones((H // 2,), dtype=jnp.float32)
    bt2 = jnp.zeros((H // 2,), dtype=jnp.float32)
    W3 = jax.random.normal(ks[5], (H // 2, O), dtype=jnp.float32) * jnp.sqrt(2.0 / (H // 2))
    b3 = jnp.zeros((O,), dtype=jnp.float32)
    return {
        "x_cont": x_cont, "x_cat": x_cat, "emb": emb,
        "gamma_c": gamma_c, "beta_c": beta_c,
        "W1": W1, "b1": b1, "g1": g1, "bt1": bt1,
        "W2": W2, "b2": b2, "g2": g2, "bt2": bt2,
        "W3": W3, "b3": b3,
    }


def reference(x_cont, x_cat, emb, gamma_c, beta_c, W1, b1, g1, bt1, W2, b2, g2, bt2, W3, b3):
    # per-field embedding lookup: emb[f, x_cat[:, f]] for each field f
    # (dropout is identity in eval / deterministic reference)
    e = emb[jnp.arange(F)[None, :], x_cat]  # gather -> [B, F, D]
    e = e.reshape(B, F * D)
    xc = _batchnorm(x_cont, gamma_c, beta_c)
    x = jnp.concatenate([e, xc], axis=1)
    x = jnp.maximum(x @ W1 + b1, 0.0)
    x = _batchnorm(x, g1, bt1)
    x = jnp.maximum(x @ W2 + b2, 0.0)
    x = _batchnorm(x, g2, bt2)
    x = x @ W3 + b3
    return x

if __name__ == "__main__":
    import jax
    _d = setup_inputs()
    print(jax.jit(kernel)(*tuple(_d.values())))

</pallas_src>

<mosaic_0001>
#map = affine_map<(d0, d1) -> (0, 0)>
module attributes {stable_mosaic.version = 14 : i64} {
  func.func @k(%arg0: i32, %arg1: i32, %arg2: memref<416x100000xf32, #tpu.memory_space<hbm>>, %arg3: memref<26x16384xi32, #tpu.memory_space<hbm>>, %arg4: memref<416x16384xf32, #tpu.memory_space<hbm>>, %arg5: memref<100000xf32, #tpu.memory_space<vmem>>, %arg6: memref<16384xi32, #tpu.memory_space<vmem>>, %arg7: memref<4096xf32, #tpu.memory_space<vmem>>, %arg8: memref<4096xf32, #tpu.memory_space<vmem>>, %arg9: memref<!tpu.dma_semaphore, #tpu.memory_space<semaphore_mem>>, %arg10: memref<!tpu.dma_semaphore, #tpu.memory_space<semaphore_mem>>, %arg11: memref<!tpu.dma_semaphore, #tpu.memory_space<semaphore_mem>>) attributes {dimension_semantics = [#tpu.dimension_semantics<core_parallel>, #tpu.dimension_semantics<subcore_parallel>], iteration_bounds = array<i64: 2, 16>, scalar_prefetch = 0 : i64, scratch_operands = 7 : i64, tpu.core_type = #tpu.core_type<sc_vector_subcore>, window_params = [{transform_indices = #map}, {transform_indices = #map}, {transform_indices = #map}]} {
    %mul3A = arith.constant 2 : i32
    %mul3A_0 = arith.muli %arg1, %mul3A : i32
    %add3A = arith.addi %mul3A_0, %arg0 : i32
    %scan3A = arith.constant -1 : i32
    %scan3A_1 = arith.constant 0 : i32
    %scan3A_2 = arith.constant 13 : i32
    %scan3A_3 = arith.addi %scan3A_1, %scan3A_2 : i32
    %scan3A_4 = arith.constant 1 : i32
    %scan3A_5 = scf.for %scan3A_23 = %scan3A_1 to %scan3A_3 step %scan3A_4 iter_args(%scan3A_24 = %scan3A) -> (i32)  : i32 {
      %mul3A_25 = arith.constant 13 : i32
      %mul3A_26 = arith.muli %add3A, %mul3A_25 : i32
      %add3A_27 = arith.addi %mul3A_26, %scan3A_23 : i32
      %jit3A = arith.constant 16 : i32
      %div3A = arith.divsi %add3A_27, %jit3A : i32
      %sign3A = arith.constant 0 : i32
      %sign3A_28 = arith.cmpi sgt, %add3A_27, %sign3A : i32
      %sign3A_29 = arith.extui %sign3A_28 : i1 to i32
      %sign3A_30 = arith.constant 0 : i32
      %sign3A_31 = arith.cmpi slt, %add3A_27, %sign3A_30 : i32
      %sign3A_32 = arith.extui %sign3A_31 : i1 to i32
      %sign3A_33 = arith.subi %sign3A_29, %sign3A_32 : i32
      %sign3A_34 = arith.constant 0 : i32
      %sign3A_35 = arith.cmpi sgt, %jit3A, %sign3A_34 : i32
      %sign3A_36 = arith.extui %sign3A_35 : i1 to i32
      %sign3A_37 = arith.constant 0 : i32
      %sign3A_38 = arith.cmpi slt, %jit3A, %sign3A_37 : i32
      %sign3A_39 = arith.extui %sign3A_38 : i1 to i32
      %sign3A_40 = arith.subi %sign3A_36, %sign3A_39 : i32
      %ne3A = arith.cmpi ne, %sign3A_33, %sign3A_40 : i32
      %rem3A = arith.remsi %add3A_27, %jit3A : i32
      %ne3A_41 = arith.constant 0 : i32
      %ne3A_42 = arith.cmpi ne, %rem3A, %ne3A_41 : i32
      %and3A = arith.andi %ne3A, %ne3A_42 : i1
      %sub3A_43 = arith.constant 1 : i32
      %sub3A_44 = arith.subi %div3A, %sub3A_43 : i32
      %select_n3A = arith.select %and3A, %sub3A_44, %div3A : i32
      %dma_start3A = arith.constant 0 : i32
      %dma_start3A_45 = tpu.memref_slice %arg2[%add3A_27, %dma_start3A] : memref<416x100000xf32, #tpu.memory_space<hbm>> -> memref<1x100000xf32, #tpu.memory_space<hbm>>
      %dma_start3A_46 = tpu.memref_squeeze %dma_start3A_45 : memref<1x100000xf32, #tpu.memory_space<hbm>> -> memref<100000xf32, #tpu.memory_space<hbm>>
      %dma_start3A_47 = arith.constant 0 : i32
      %dma_start3A_48 = tpu.memref_slice %arg2[%add3A_27, %dma_start3A_47] : memref<416x100000xf32, #tpu.memory_space<hbm>> -> memref<1x100000xf32, #tpu.memory_space<hbm>>
      %dma_start3A_49 = tpu.memref_squeeze %dma_start3A_48 : memref<1x100000xf32, #tpu.memory_space<hbm>> -> memref<100000xf32, #tpu.memory_space<hbm>>
      tpu.enqueue_dma source(%dma_start3A_49 : memref<100000xf32, #tpu.memory_space<hbm>>) target(%arg5 : memref<100000xf32, #tpu.memory_space<vmem>>) target_semaphore(%arg11 : memref<!tpu.dma_semaphore, #tpu.memory_space<semaphore_mem>>)
      %ne3A_50 = arith.cmpi ne, %select_n3A, %scan3A_24 : i32
      %convert_element_type3A = arith.extui %ne3A_50 : i1 to i32
      %cond3A = arith.constant 0 : i32
      %cond3A_51 = arith.cmpi ne, %convert_element_type3A, %cond3A : i32
      scf.if %cond3A_51 {
        "tpu.region"() ({
          %run_scoped3A = tpu.sem_alloc : memref<!tpu.dma_semaphore, #tpu.memory_space<semaphore_mem>>
          %dma_start3A_109 = arith.constant 0 : i32
          %dma_start3A_110 = tpu.memref_slice %arg3[%select_n3A, %dma_start3A_109] : memref<26x16384xi32, #tpu.memory_space<hbm>> -> memref<1x16384xi32, #tpu.memory_space<hbm>>
          %dma_start3A_111 = tpu.memref_squeeze %dma_start3A_110 : memref<1x16384xi32, #tpu.memory_space<hbm>> -> memref<16384xi32, #tpu.memory_space<hbm>>
          %dma_start3A_112 = arith.constant 0 : i32
          %dma_start3A_113 = tpu.memref_slice %arg3[%select_n3A, %dma_start3A_112] : memref<26x16384xi32, #tpu.memory_space<hbm>> -> memref<1x16384xi32, #tpu.memory_space<hbm>>
          %dma_start3A_114 = tpu.memref_squeeze %dma_start3A_113 : memref<1x16384xi32, #tpu.memory_space<hbm>> -> memref<16384xi32, #tpu.memory_space<hbm>>
          tpu.enqueue_dma source(%dma_start3A_114 : memref<16384xi32, #tpu.memory_space<hbm>>) target(%arg6 : memref<16384xi32, #tpu.memory_space<vmem>>) target_semaphore(%run_scoped3A : memref<!tpu.dma_semaphore, #tpu.memory_space<semaphore_mem>>)
          %dma_wait3A_115 = arith.constant 0 : i32
          %dma_wait3A_116 = tpu.memref_slice %arg3[%select_n3A, %dma_wait3A_115] : memref<26x16384xi32, #tpu.memory_space<hbm>> -> memref<1x16384xi32, #tpu.memory_space<hbm>>
          %dma_wait3A_117 = tpu.memref_squeeze %dma_wait3A_116 : memref<1x16384xi32, #tpu.memory_space<hbm>> -> memref<16384xi32, #tpu.memory_space<hbm>>
          %dma_wait3A_118 = arith.constant 0 : i32
          %dma_wait3A_119 = tpu.memref_slice %arg3[%select_n3A, %dma_wait3A_118] : memref<26x16384xi32, #tpu.memory_space<hbm>> -> memref<1x16384xi32, #tpu.memory_space<hbm>>
          %dma_wait3A_120 = tpu.memref_squeeze %dma_wait3A_119 : memref<1x16384xi32, #tpu.memory_space<hbm>> -> memref<16384xi32, #tpu.memory_space<hbm>>
          tpu.wait_dma2 semaphore(%run_scoped3A : memref<!tpu.dma_semaphore, #tpu.memory_space<semaphore_mem>>) src(%dma_wait3A_120 : memref<16384xi32, #tpu.memory_space<hbm>>) dst(%arg6 : memref<16384xi32, #tpu.memory_space<vmem>>)
          tpu.yield
        }) : () -> ()
      } else {
      }
      %gt3A = arith.constant 0 : i32
      %gt3A_52 = arith.cmpi sgt, %scan3A_23, %gt3A : i32
      %convert_element_type3A_53 = arith.extui %gt3A_52 : i1 to i32
      %cond3A_54 = arith.constant 0 : i32
      %cond3A_55 = arith.cmpi ne, %convert_element_type3A_53, %cond3A_54 : i32
      scf.if %cond3A_55 {
        %dma_wait3A_109 = arith.constant 8192 : i32
        %dma_wait3A_110 = tpu.memref_slice %arg4[%add3A_27, %dma_wait3A_109] : memref<416x16384xf32, #tpu.memory_space<hbm>> -> memref<1x4096xf32, #tpu.memory_space<hbm>>
        %dma_wait3A_111 = tpu.memref_squeeze %dma_wait3A_110 : memref<1x4096xf32, #tpu.memory_space<hbm>> -> memref<4096xf32, #tpu.memory_space<hbm>>
        %dma_wait3A_112 = arith.constant 8192 : i32
        %dma_wait3A_113 = tpu.memref_slice %arg4[%add3A_27, %dma_wait3A_112] : memref<416x16384xf32, #tpu.memory_space<hbm>> -> memref<1x4096xf32, #tpu.memory_space<hbm>>
        %dma_wait3A_114 = tpu.memref_squeeze %dma_wait3A_113 : memref<1x4096xf32, #tpu.memory_space<hbm>> -> memref<4096xf32, #tpu.memory_space<hbm>>
        tpu.wait_dma2 semaphore(%arg9 : memref<!tpu.dma_semaphore, #tpu.memory_space<semaphore_mem>>) src(%dma_wait3A_114 : memref<4096xf32, #tpu.memory_space<hbm>>) dst(%arg7 : memref<4096xf32, #tpu.memory_space<vmem>>)
        %dma_wait3A_115 = arith.constant 12288 : i32
        %dma_wait3A_116 = tpu.memref_slice %arg4[%add3A_27, %dma_wait3A_115] : memref<416x16384xf32, #tpu.memory_space<hbm>> -> memref<1x4096xf32, #tpu.memory_space<hbm>>
        %dma_wait3A_117 = tpu.memref_squeeze %dma_wait3A_116 : memref<1x4096xf32, #tpu.memory_space<hbm>> -> memref<4096xf32, #tpu.memory_space<hbm>>
        %dma_wait3A_118 = arith.constant 12288 : i32
        %dma_wait3A_119 = tpu.memref_slice %arg4[%add3A_27, %dma_wait3A_118] : memref<416x16384xf32, #tpu.memory_space<hbm>> -> memref<1x4096xf32, #tpu.memory_space<hbm>>
        %dma_wait3A_120 = tpu.memref_squeeze %dma_wait3A_119 : memref<1x4096xf32, #tpu.memory_space<hbm>> -> memref<4096xf32, #tpu.memory_space<hbm>>
        tpu.wait_dma2 semaphore(%arg10 : memref<!tpu.dma_semaphore, #tpu.memory_space<semaphore_mem>>) src(%dma_wait3A_120 : memref<4096xf32, #tpu.memory_space<hbm>>) dst(%arg8 : memref<4096xf32, #tpu.memory_space<vmem>>)
      } else {
      }
      %dma_wait3A_56 = arith.constant 0 : i32
      %dma_wait3A_57 = tpu.memref_slice %arg2[%add3A_27, %dma_wait3A_56] : memref<416x100000xf32, #tpu.memory_space<hbm>> -> memref<1x100000xf32, #tpu.memory_space<hbm>>
      %dma_wait3A_58 = tpu.memref_squeeze %dma_wait3A_57 : memref<1x100000xf32, #tpu.memory_space<hbm>> -> memref<100000xf32, #tpu.memory_space<hbm>>
      %dma_wait3A_59 = arith.constant 0 : i32
      %dma_wait3A_60 = tpu.memref_slice %arg2[%add3A_27, %dma_wait3A_59] : memref<416x100000xf32, #tpu.memory_space<hbm>> -> memref<1x100000xf32, #tpu.memory_space<hbm>>
      %dma_wait3A_61 = tpu.memref_squeeze %dma_wait3A_60 : memref<1x100000xf32, #tpu.memory_space<hbm>> -> memref<100000xf32, #tpu.memory_space<hbm>>
      tpu.wait_dma2 semaphore(%arg11 : memref<!tpu.dma_semaphore, #tpu.memory_space<semaphore_mem>>) src(%dma_wait3A_61 : memref<100000xf32, #tpu.memory_space<hbm>>) dst(%arg5 : memref<100000xf32, #tpu.memory_space<vmem>>)
      %parallel_loop3A = arith.constant 0 : i32
      %parallel_loop3A_62 = arith.constant 4096 : i32
      %parallel_loop3A_63 = arith.constant 16 : i32
      scf.for %parallel_loop3A_109 = %parallel_loop3A to %parallel_loop3A_62 step %parallel_loop3A_63  : i32 {
        %parallel_loop3A_110 = arith.constant 0 : i32
        %parallel_loop3A_111 = arith.addi %parallel_loop3A_110, %parallel_loop3A_109 : i32
        %parallel_loop3A_112 = arith.index_cast %parallel_loop3A_111 : i32 to index
        %parallel_loop3A_113 = tpu.vector_load %arg6[%parallel_loop3A_112] {strides = array<i32>} : memref<16384xi32, #tpu.memory_space<vmem>>, vector<16xi32>,
        %parallel_loop3A_114 = tpu.vector_load_idx %arg5[%parallel_loop3A_113] : memref<100000xf32, #tpu.memory_space<vmem>>[vector<16xi32>], vector<16xf32>,
        %parallel_loop3A_115 = arith.index_cast %parallel_loop3A_109 : i32 to index
        %parallel_loop3A_116 = tpu.vector_load %arg7[%parallel_loop3A_115] {strides = array<i32>} : memref<4096xf32, #tpu.memory_space<vmem>>, vector<16xf32>,
        tpu.vector_store %arg7[%parallel_loop3A_115], %parallel_loop3A_114 {strides = array<i32>} : memref<4096xf32, #tpu.memory_space<vmem>>, vector<16xf32>,
      } {sc.loop_unroll_factor = 16 : i64, sc.parallel_access}
      %dma_start3A_64 = arith.constant 0 : i32
      %dma_start3A_65 = tpu.memref_slice %arg4[%add3A_27, %dma_start3A_64] : memref<416x16384xf32, #tpu.memory_space<hbm>> -> memref<1x4096xf32, #tpu.memory_space<hbm>>
      %dma_start3A_66 = tpu.memref_squeeze %dma_start3A_65 : memref<1x4096xf32, #tpu.memory_space<hbm>> -> memref<4096xf32, #tpu.memory_space<hbm>>
      %dma_start3A_67 = arith.constant 0 : i32
      %dma_start3A_68 = tpu.memref_slice %arg4[%add3A_27, %dma_start3A_67] : memref<416x16384xf32, #tpu.memory_space<hbm>> -> memref<1x4096xf32, #tpu.memory_space<hbm>>
      %dma_start3A_69 = tpu.memref_squeeze %dma_start3A_68 : memref<1x4096xf32, #tpu.memory_space<hbm>> -> memref<4096xf32, #tpu.memory_space<hbm>>
      tpu.enqueue_dma source(%arg7 : memref<4096xf32, #tpu.memory_space<vmem>>) target(%dma_start3A_69 : memref<4096xf32, #tpu.memory_space<hbm>>) target_semaphore(%arg9 : memref<!tpu.dma_semaphore, #tpu.memory_space<semaphore_mem>>)
      %parallel_loop3A_70 = arith.constant 0 : i32
      %parallel_loop3A_71 = arith.constant 4096 : i32
      %parallel_loop3A_72 = arith.constant 16 : i32
      scf.for %parallel_loop3A_109 = %parallel_loop3A_70 to %parallel_loop3A_71 step %parallel_loop3A_72  : i32 {
        %parallel_loop3A_110 = arith.constant 4096 : i32
        %parallel_loop3A_111 = arith.addi %parallel_loop3A_110, %parallel_loop3A_109 : i32
        %parallel_loop3A_112 = arith.index_cast %parallel_loop3A_111 : i32 to index
        %parallel_loop3A_113 = tpu.vector_load %arg6[%parallel_loop3A_112] {strides = array<i32>} : memref<16384xi32, #tpu.memory_space<vmem>>, vector<16xi32>,
        %parallel_loop3A_114 = tpu.vector_load_idx %arg5[%parallel_loop3A_113] : memref<100000xf32, #tpu.memory_space<vmem>>[vector<16xi32>], vector<16xf32>,
        %parallel_loop3A_115 = arith.index_cast %parallel_loop3A_109 : i32 to index
        %parallel_loop3A_116 = tpu.vector_load %arg8[%parallel_loop3A_115] {strides = array<i32>} : memref<4096xf32, #tpu.memory_space<vmem>>, vector<16xf32>,
        tpu.vector_store %arg8[%parallel_loop3A_115], %parallel_loop3A_114 {strides = array<i32>} : memref<4096xf32, #tpu.memory_space<vmem>>, vector<16xf32>,
      } {sc.loop_unroll_factor = 16 : i64, sc.parallel_access}
      %dma_start3A_73 = arith.constant 4096 : i32
      %dma_start3A_74 = tpu.memref_slice %arg4[%add3A_27, %dma_start3A_73] : memref<416x16384xf32, #tpu.memory_space<hbm>> -> memref<1x4096xf32, #tpu.memory_space<hbm>>
      %dma_start3A_75 = tpu.memref_squeeze %dma_start3A_74 : memref<1x4096xf32, #tpu.memory_space<hbm>> -> memref<4096xf32, #tpu.memory_space<hbm>>
      %dma_start3A_76 = arith.constant 4096 : i32
      %dma_start3A_77 = tpu.memref_slice %arg4[%add3A_27, %dma_start3A_76] : memref<416x16384xf32, #tpu.memory_space<hbm>> -> memref<1x4096xf32, #tpu.memory_space<hbm>>
      %dma_start3A_78 = tpu.memref_squeeze %dma_start3A_77 : memref<1x4096xf32, #tpu.memory_space<hbm>> -> memref<4096xf32, #tpu.memory_space<hbm>>
      tpu.enqueue_dma source(%arg8 : memref<4096xf32, #tpu.memory_space<vmem>>) target(%dma_start3A_78 : memref<4096xf32, #tpu.memory_space<hbm>>) target_semaphore(%arg10 : memref<!tpu.dma_semaphore, #tpu.memory_space<semaphore_mem>>)
      %dma_wait3A_79 = arith.constant 0 : i32
      %dma_wait3A_80 = tpu.memref_slice %arg4[%add3A_27, %dma_wait3A_79] : memref<416x16384xf32, #tpu.memory_space<hbm>> -> memref<1x4096xf32, #tpu.memory_space<hbm>>
      %dma_wait3A_81 = tpu.memref_squeeze %dma_wait3A_80 : memref<1x4096xf32, #tpu.memory_space<hbm>> -> memref<4096xf32, #tpu.memory_space<hbm>>
      %dma_wait3A_82 = arith.constant 0 : i32
      %dma_wait3A_83 = tpu.memref_slice %arg4[%add3A_27, %dma_wait3A_82] : memref<416x16384xf32, #tpu.memory_space<hbm>> -> memref<1x4096xf32, #tpu.memory_space<hbm>>
      %dma_wait3A_84 = tpu.memref_squeeze %dma_wait3A_83 : memref<1x4096xf32, #tpu.memory_space<hbm>> -> memref<4096xf32, #tpu.memory_space<hbm>>
      tpu.wait_dma2 semaphore(%arg9 : memref<!tpu.dma_semaphore, #tpu.memory_space<semaphore_mem>>) src(%arg7 : memref<4096xf32, #tpu.memory_space<vmem>>) dst(%dma_wait3A_84 : memref<4096xf32, #tpu.memory_space<hbm>>)
      %parallel_loop3A_85 = arith.constant 0 : i32
      %parallel_loop3A_86 = arith.constant 4096 : i32
      %parallel_loop3A_87 = arith.constant 16 : i32
      scf.for %parallel_loop3A_109 = %parallel_loop3A_85 to %parallel_loop3A_86 step %parallel_loop3A_87  : i32 {
        %parallel_loop3A_110 = arith.constant 8192 : i32
        %parallel_loop3A_111 = arith.addi %parallel_loop3A_110, %parallel_loop3A_109 : i32
        %parallel_loop3A_112 = arith.index_cast %parallel_loop3A_111 : i32 to index
        %parallel_loop3A_113 = tpu.vector_load %arg6[%parallel_loop3A_112] {strides = array<i32>} : memref<16384xi32, #tpu.memory_space<vmem>>, vector<16xi32>,
        %parallel_loop3A_114 = tpu.vector_load_idx %arg5[%parallel_loop3A_113] : memref<100000xf32, #tpu.memory_space<vmem>>[vector<16xi32>], vector<16xf32>,
        %parallel_loop3A_115 = arith.index_cast %parallel_loop3A_109 : i32 to index
        %parallel_loop3A_116 = tpu.vector_load %arg7[%parallel_loop3A_115] {strides = array<i32>} : memref<4096xf32, #tpu.memory_space<vmem>>, vector<16xf32>,
        tpu.vector_store %arg7[%parallel_loop3A_115], %parallel_loop3A_114 {strides = array<i32>} : memref<4096xf32, #tpu.memory_space<vmem>>, vector<16xf32>,
      } {sc.loop_unroll_factor = 16 : i64, sc.parallel_access}
      %dma_start3A_88 = arith.constant 8192 : i32
      %dma_start3A_89 = tpu.memref_slice %arg4[%add3A_27, %dma_start3A_88] : memref<416x16384xf32, #tpu.memory_space<hbm>> -> memref<1x4096xf32, #tpu.memory_space<hbm>>
      %dma_start3A_90 = tpu.memref_squeeze %dma_start3A_89 : memref<1x4096xf32, #tpu.memory_space<hbm>> -> memref<4096xf32, #tpu.memory_space<hbm>>
      %dma_start3A_91 = arith.constant 8192 : i32
      %dma_start3A_92 = tpu.memref_slice %arg4[%add3A_27, %dma_start3A_91] : memref<416x16384xf32, #tpu.memory_space<hbm>> -> memref<1x4096xf32, #tpu.memory_space<hbm>>
      %dma_start3A_93 = tpu.memref_squeeze %dma_start3A_92 : memref<1x4096xf32, #tpu.memory_space<hbm>> -> memref<4096xf32, #tpu.memory_space<hbm>>
      tpu.enqueue_dma source(%arg7 : memref<4096xf32, #tpu.memory_space<vmem>>) target(%dma_start3A_93 : memref<4096xf32, #tpu.memory_space<hbm>>) target_semaphore(%arg9 : memref<!tpu.dma_semaphore, #tpu.memory_space<semaphore_mem>>)
      %dma_wait3A_94 = arith.constant 4096 : i32
      %dma_wait3A_95 = tpu.memref_slice %arg4[%add3A_27, %dma_wait3A_94] : memref<416x16384xf32, #tpu.memory_space<hbm>> -> memref<1x4096xf32, #tpu.memory_space<hbm>>
      %dma_wait3A_96 = tpu.memref_squeeze %dma_wait3A_95 : memref<1x4096xf32, #tpu.memory_space<hbm>> -> memref<4096xf32, #tpu.memory_space<hbm>>
      %dma_wait3A_97 = arith.constant 4096 : i32
      %dma_wait3A_98 = tpu.memref_slice %arg4[%add3A_27, %dma_wait3A_97] : memref<416x16384xf32, #tpu.memory_space<hbm>> -> memref<1x4096xf32, #tpu.memory_space<hbm>>
      %dma_wait3A_99 = tpu.memref_squeeze %dma_wait3A_98 : memref<1x4096xf32, #tpu.memory_space<hbm>> -> memref<4096xf32, #tpu.memory_space<hbm>>
      tpu.wait_dma2 semaphore(%arg10 : memref<!tpu.dma_semaphore, #tpu.memory_space<semaphore_mem>>) src(%arg8 : memref<4096xf32, #tpu.memory_space<vmem>>) dst(%dma_wait3A_99 : memref<4096xf32, #tpu.memory_space<hbm>>)
      %parallel_loop3A_100 = arith.constant 0 : i32
      %parallel_loop3A_101 = arith.constant 4096 : i32
      %parallel_loop3A_102 = arith.constant 16 : i32
      scf.for %parallel_loop3A_109 = %parallel_loop3A_100 to %parallel_loop3A_101 step %parallel_loop3A_102  : i32 {
        %parallel_loop3A_110 = arith.constant 12288 : i32
        %parallel_loop3A_111 = arith.addi %parallel_loop3A_110, %parallel_loop3A_109 : i32
        %parallel_loop3A_112 = arith.index_cast %parallel_loop3A_111 : i32 to index
        %parallel_loop3A_113 = tpu.vector_load %arg6[%parallel_loop3A_112] {strides = array<i32>} : memref<16384xi32, #tpu.memory_space<vmem>>, vector<16xi32>,
        %parallel_loop3A_114 = tpu.vector_load_idx %arg5[%parallel_loop3A_113] : memref<100000xf32, #tpu.memory_space<vmem>>[vector<16xi32>], vector<16xf32>,
        %parallel_loop3A_115 = arith.index_cast %parallel_loop3A_109 : i32 to index
        %parallel_loop3A_116 = tpu.vector_load %arg8[%parallel_loop3A_115] {strides = array<i32>} : memref<4096xf32, #tpu.memory_space<vmem>>, vector<16xf32>,
        tpu.vector_store %arg8[%parallel_loop3A_115], %parallel_loop3A_114 {strides = array<i32>} : memref<4096xf32, #tpu.memory_space<vmem>>, vector<16xf32>,
      } {sc.loop_unroll_factor = 16 : i64, sc.parallel_access}
      %dma_start3A_103 = arith.constant 12288 : i32
      %dma_start3A_104 = tpu.memref_slice %arg4[%add3A_27, %dma_start3A_103] : memref<416x16384xf32, #tpu.memory_space<hbm>> -> memref<1x4096xf32, #tpu.memory_space<hbm>>
      %dma_start3A_105 = tpu.memref_squeeze %dma_start3A_104 : memref<1x4096xf32, #tpu.memory_space<hbm>> -> memref<4096xf32, #tpu.memory_space<hbm>>
      %dma_start3A_106 = arith.constant 12288 : i32
      %dma_start3A_107 = tpu.memref_slice %arg4[%add3A_27, %dma_start3A_106] : memref<416x16384xf32, #tpu.memory_space<hbm>> -> memref<1x4096xf32, #tpu.memory_space<hbm>>
      %dma_start3A_108 = tpu.memref_squeeze %dma_start3A_107 : memref<1x4096xf32, #tpu.memory_space<hbm>> -> memref<4096xf32, #tpu.memory_space<hbm>>
      tpu.enqueue_dma source(%arg8 : memref<4096xf32, #tpu.memory_space<vmem>>) target(%dma_start3A_108 : memref<4096xf32, #tpu.memory_space<hbm>>) target_semaphore(%arg10 : memref<!tpu.dma_semaphore, #tpu.memory_space<semaphore_mem>>)
      scf.yield %select_n3A : i32
    }
    %scan3A_6 = arith.constant 13 : i32
    %mul3A_7 = arith.constant 13 : i32
    %mul3A_8 = arith.muli %add3A, %mul3A_7 : i32
    %add3A_9 = arith.constant 13 : i32
    %add3A_10 = arith.addi %mul3A_8, %add3A_9 : i32
    %sub3A = arith.constant 1 : i32
    %sub3A_11 = arith.subi %add3A_10, %sub3A : i32
    %dma_wait3A = arith.constant 8192 : i32
    %dma_wait3A_12 = tpu.memref_slice %arg4[%sub3A_11, %dma_wait3A] : memref<416x16384xf32, #tpu.memory_space<hbm>> -> memref<1x4096xf32, #tpu.memory_space<hbm>>
    %dma_wait3A_13 = tpu.memref_squeeze %dma_wait3A_12 : memref<1x4096xf32, #tpu.memory_space<hbm>> -> memref<4096xf32, #tpu.memory_space<hbm>>
    %dma_wait3A_14 = arith.constant 8192 : i32
    %dma_wait3A_15 = tpu.memref_slice %arg4[%sub3A_11, %dma_wait3A_14] : memref<416x16384xf32, #tpu.memory_space<hbm>> -> memref<1x4096xf32, #tpu.memory_space<hbm>>
    %dma_wait3A_16 = tpu.memref_squeeze %dma_wait3A_15 : memref<1x4096xf32, #tpu.memory_space<hbm>> -> memref<4096xf32, #tpu.memory_space<hbm>>
    tpu.wait_dma2 semaphore(%arg9 : memref<!tpu.dma_semaphore, #tpu.memory_space<semaphore_mem>>) src(%dma_wait3A_16 : memref<4096xf32, #tpu.memory_space<hbm>>) dst(%arg7 : memref<4096xf32, #tpu.memory_space<vmem>>)
    %dma_wait3A_17 = arith.constant 12288 : i32
    %dma_wait3A_18 = tpu.memref_slice %arg4[%sub3A_11, %dma_wait3A_17] : memref<416x16384xf32, #tpu.memory_space<hbm>> -> memref<1x4096xf32, #tpu.memory_space<hbm>>
    %dma_wait3A_19 = tpu.memref_squeeze %dma_wait3A_18 : memref<1x4096xf32, #tpu.memory_space<hbm>> -> memref<4096xf32, #tpu.memory_space<hbm>>
    %dma_wait3A_20 = arith.constant 12288 : i32
    %dma_wait3A_21 = tpu.memref_slice %arg4[%sub3A_11, %dma_wait3A_20] : memref<416x16384xf32, #tpu.memory_space<hbm>> -> memref<1x4096xf32, #tpu.memory_space<hbm>>
    %dma_wait3A_22 = tpu.memref_squeeze %dma_wait3A_21 : memref<1x4096xf32, #tpu.memory_space<hbm>> -> memref<4096xf32, #tpu.memory_space<hbm>>
    tpu.wait_dma2 semaphore(%arg10 : memref<!tpu.dma_semaphore, #tpu.memory_space<semaphore_mem>>) src(%dma_wait3A_22 : memref<4096xf32, #tpu.memory_space<hbm>>) dst(%arg8 : memref<4096xf32, #tpu.memory_space<vmem>>)
    return
  }
}

module attributes {stable_mosaic.version = 14 : i64} {
  func.func @_xcstat_body(%arg0: memref<16384x13xf32, #tpu.memory_space<vmem>>, %arg1: memref<1x13xf32, #tpu.memory_space<vmem>>, %arg2: memref<1x13xf32, #tpu.memory_space<vmem>>, %arg3: memref<2x13xf32, #tpu.memory_space<vmem>>) attributes {dimension_semantics = [], scalar_prefetch = 0 : i64, scratch_operands = 0 : i64, tpu.core_type = #tpu.core_type<tc>} {
    %get3A = arith.constant 0 : index
    %get3A_0 = arith.constant 0 : index
    %get3A_1 = vector.load %arg0[%get3A, %get3A_0] : memref<16384x13xf32, #tpu.memory_space<vmem>>, vector<16384x13xf32>
    %reduce_sum3A = arith.constant dense<0.000000e+00> : vector<13xf32>
    %reduce_sum3A_2 = vector.multi_reduction <add>, %get3A_1, %reduce_sum3A [0] : vector<16384x13xf32> to vector<13xf32>
    %broadcast_in_dim3A = vector.shape_cast %reduce_sum3A_2 : vector<13xf32> to vector<1x13xf32>
    %div3A = arith.constant 1.638400e+04 : f32
    %div3A_3 = vector.broadcast %div3A : f32 to vector<1x13xf32>
    %div3A_4 = arith.divf %broadcast_in_dim3A, %div3A_3 : vector<1x13xf32>
    %mul3A = arith.mulf %get3A_1, %get3A_1 : vector<16384x13xf32>
    %reduce_sum3A_5 = arith.constant dense<0.000000e+00> : vector<13xf32>
    %reduce_sum3A_6 = vector.multi_reduction <add>, %mul3A, %reduce_sum3A_5 [0] : vector<16384x13xf32> to vector<13xf32>
    %broadcast_in_dim3A_7 = vector.shape_cast %reduce_sum3A_6 : vector<13xf32> to vector<1x13xf32>
    %div3A_8 = arith.constant 1.638400e+04 : f32
    %div3A_9 = vector.broadcast %div3A_8 : f32 to vector<1x13xf32>
    %div3A_10 = arith.divf %broadcast_in_dim3A_7, %div3A_9 : vector<1x13xf32>
    %mul3A_11 = arith.mulf %div3A_4, %div3A_4 : vector<1x13xf32>
    %sub3A = arith.subf %div3A_10, %mul3A_11 : vector<1x13xf32>
    %get3A_12 = arith.constant 0 : index
    %get3A_13 = arith.constant 0 : index
    %get3A_14 = vector.load %arg1[%get3A_12, %get3A_13] : memref<1x13xf32, #tpu.memory_space<vmem>>, vector<1x13xf32>
    %add3A = arith.constant 9.99999974E-6 : f32
    %add3A_15 = vector.broadcast %add3A : f32 to vector<1x13xf32>
    %add3A_16 = arith.addf %sub3A, %add3A_15 : vector<1x13xf32>
    %rsqrt3A = math.rsqrt %add3A_16 : vector<1x13xf32>
    %mul3A_17 = arith.mulf %get3A_14, %rsqrt3A : vector<1x13xf32>
    %get3A_18 = arith.constant 0 : index
    %get3A_19 = arith.constant 0 : index
    %get3A_20 = vector.load %arg2[%get3A_18, %get3A_19] : memref<1x13xf32, #tpu.memory_space<vmem>>, vector<1x13xf32>
    %mul3A_21 = arith.mulf %div3A_4, %mul3A_17 : vector<1x13xf32>
    %sub3A_22 = arith.subf %get3A_20, %mul3A_21 : vector<1x13xf32>
    %swap3A = arith.constant 0 : index
    %swap3A_23 = arith.constant 0 : index
    %swap3A_24 = vector.load %arg3[%swap3A, %swap3A_23] : memref<2x13xf32, #tpu.memory_space<vmem>>, vector<1x13xf32>
    tpu.vector_store %arg3[%swap3A, %swap3A_23], %mul3A_17 {strides = array<i32>} : memref<2x13xf32, #tpu.memory_space<vmem>>, vector<1x13xf32>,
    %swap3A_25 = arith.constant 1 : index
    %swap3A_26 = arith.constant 0 : index
    %swap3A_27 = vector.load %arg3[%swap3A_25, %swap3A_26] : memref<2x13xf32, #tpu.memory_space<vmem>>, vector<1x13xf32>
    tpu.vector_store %arg3[%swap3A_25, %swap3A_26], %sub3A_22 {strides = array<i32>} : memref<2x13xf32, #tpu.memory_space<vmem>>, vector<1x13xf32>,
    return
  }
}

module attributes {stable_mosaic.version = 14 : i64} {
  func.func @_mlp_body(%arg0: i32, %arg1: i32, %arg2: memref<416x1024xf32, #tpu.memory_space<vmem>>, %arg3: memref<1024x13xf32, #tpu.memory_space<vmem>>, %arg4: memref<2x13xf32, #tpu.memory_space<vmem>>, %arg5: memref<416x512xf32, #tpu.memory_space<vmem>>, %arg6: memref<13x512xf32, #tpu.memory_space<vmem>>, %arg7: memref<1x512xf32, #tpu.memory_space<vmem>>, %arg8: memref<1x512xf32, #tpu.memory_space<vmem>>, %arg9: memref<1x512xf32, #tpu.memory_space<vmem>>, %arg10: memref<512x256xf32, #tpu.memory_space<vmem>>, %arg11: memref<1x256xf32, #tpu.memory_space<vmem>>, %arg12: memref<1x256xf32, #tpu.memory_space<vmem>>, %arg13: memref<1x256xf32, #tpu.memory_space<vmem>>, %arg14: memref<256x10xf32, #tpu.memory_space<vmem>>, %arg15: memref<1x10xf32, #tpu.memory_space<vmem>>, %arg16: memref<1024x10xf32, #tpu.memory_space<vmem>>, %arg17: memref<16384x512xf32, #tpu.memory_space<vmem>>, %arg18: memref<16384x256xf32, #tpu.memory_space<vmem>>, %arg19: memref<2x512xf32, #tpu.memory_space<vmem>>, %arg20: memref<2x256xf32, #tpu.memory_space<vmem>>) attributes {dimension_semantics = [#tpu.dimension_semantics<arbitrary>, #tpu.dimension_semantics<arbitrary>], iteration_bounds = array<i64: 3, 16>, scalar_prefetch = 0 : i64, scratch_operands = 4 : i64, tpu.core_type = #tpu.core_type<tc>, window_params = [{transform_indices = @transform_0, window_bounds = array<i64: 416, 1024>}, {transform_indices = @transform_1, window_bounds = array<i64: 1024, 13>}, {pipeline_mode = #tpu.pipeline_mode<synchronous>, transform_indices = @transform_2, window_bounds = array<i64: 2, 13>}, {pipeline_mode = #tpu.pipeline_mode<synchronous>, transform_indices = @transform_3, window_bounds = array<i64: 416, 512>}, {pipeline_mode = #tpu.pipeline_mode<synchronous>, transform_indices = @transform_4, window_bounds = array<i64: 13, 512>}, {pipeline_mode = #tpu.pipeline_mode<synchronous>, transform_indices = @transform_5, window_bounds = array<i64: 1, 512>}, {pipeline_mode = #tpu.pipeline_mode<synchronous>, transform_indices = @transform_6, window_bounds = array<i64: 1, 512>}, {pipeline_mode = #tpu.pipeline_mode<synchronous>, transform_indices = @transform_7, window_bounds = array<i64: 1, 512>}, {pipeline_mode = #tpu.pipeline_mode<synchronous>, transform_indices = @transform_8, window_bounds = array<i64: 512, 256>}, {pipeline_mode = #tpu.pipeline_mode<synchronous>, transform_indices = @transform_9, window_bounds = array<i64: 1, 256>}, {pipeline_mode = #tpu.pipeline_mode<synchronous>, transform_indices = @transform_10, window_bounds = array<i64: 1, 256>}, {pipeline_mode = #tpu.pipeline_mode<synchronous>, transform_indices = @transform_11, window_bounds = array<i64: 1, 256>}, {pipeline_mode = #tpu.pipeline_mode<synchronous>, transform_indices = @transform_12, window_bounds = array<i64: 256, 10>}, {pipeline_mode = #tpu.pipeline_mode<synchronous>, transform_indices = @transform_13, window_bounds = array<i64: 1, 10>}, {transform_indices = @transform_14, window_bounds = array<i64: 1024, 10>}]} {
    %eq3A = arith.constant 0 : i32
    %eq3A_0 = arith.cmpi eq, %arg0, %eq3A : i32
    %convert_element_type3A = arith.extui %eq3A_0 : i1 to i32
    %cond3A = arith.constant 0 : i32
    %cond3A_1 = arith.cmpi ne, %convert_element_type3A, %cond3A : i32
    scf.if %cond3A_1 {
      %get3A = arith.constant 0 : index
      %get3A_12 = arith.constant 0 : index
      %get3A_13 = vector.load %arg3[%get3A, %get3A_12] : memref<1024x13xf32, #tpu.memory_space<vmem>>, vector<1024x13xf32>
      %get3A_14 = arith.constant 0 : index
      %get3A_15 = arith.constant 0 : index
      %get3A_16 = vector.load %arg4[%get3A_14, %get3A_15] : memref<2x13xf32, #tpu.memory_space<vmem>>, vector<1x13xf32>
      %mul3A = vector.broadcast %get3A_16 : vector<1x13xf32> to vector<1024x13xf32>
      %mul3A_17 = arith.mulf %get3A_13, %mul3A : vector<1024x13xf32>
      %get3A_18 = arith.constant 1 : index
      %get3A_19 = arith.constant 0 : index
      %get3A_20 = vector.load %arg4[%get3A_18, %get3A_19] : memref<2x13xf32, #tpu.memory_space<vmem>>, vector<1x13xf32>
      %add3A = vector.broadcast %get3A_20 : vector<1x13xf32> to vector<1024x13xf32>
      %add3A_21 = arith.addf %mul3A_17, %add3A : vector<1024x13xf32>
      %get3A_22 = arith.constant 0 : index
      %get3A_23 = arith.constant 0 : index
      %get3A_24 = vector.load %arg2[%get3A_22, %get3A_23] : memref<416x1024xf32, #tpu.memory_space<vmem>>, vector<416x1024xf32>
      %get3A_25 = arith.constant 0 : index
      %get3A_26 = arith.constant 0 : index
      %get3A_27 = vector.load %arg5[%get3A_25, %get3A_26] : memref<416x512xf32, #tpu.memory_space<vmem>>, vector<416x512xf32>
      %dot_general3A = arith.constant dense<0.000000e+00> : vector<1024x512xf32>
      %dot_general3A_28 = tpu.matmul %get3A_24, %get3A_27, %dot_general3A {dimension_numbers = #tpu.dot_dimension_numbers<[0], [0], [1], [1], [0, 1, 1, 1], [], []>, transpose_lhs_hint = false} : vector<416x1024xf32>, vector<416x512xf32>, vector<1024x512xf32> -> vector<1024x512xf32>
      %get3A_29 = arith.constant 0 : index
      %get3A_30 = arith.constant 0 : index
      %get3A_31 = vector.load %arg6[%get3A_29, %get3A_30] : memref<13x512xf32, #tpu.memory_space<vmem>>, vector<13x512xf32>
      %dot_general3A_32 = arith.constant dense<0.000000e+00> : vector<1024x512xf32>
      %dot_general3A_33 = tpu.matmul %add3A_21, %get3A_31, %dot_general3A_32 {dimension_numbers = #tpu.dot_dimension_numbers<[1], [0], [0], [1], [0, 0, 1, 1], [], []>, transpose_lhs_hint = false} : vector<1024x13xf32>, vector<13x512xf32>, vector<1024x512xf32> -> vector<1024x512xf32>
      %add3A_34 = arith.addf %dot_general3A_28, %dot_general3A_33 : vector<1024x512xf32>
      %get3A_35 = arith.constant 0 : index
      %get3A_36 = arith.constant 0 : index
      %get3A_37 = vector.load %arg7[%get3A_35, %get3A_36] : memref<1x512xf32, #tpu.memory_space<vmem>>, vector<1x512xf32>
      %add3A_38 = vector.broadcast %get3A_37 : vector<1x512xf32> to vector<1024x512xf32>
      %add3A_39 = arith.addf %add3A_34, %add3A_38 : vector<1024x512xf32>
      %max3A = arith.constant 0.000000e+00 : f32
      %max3A_40 = vector.broadcast %max3A : f32 to vector<1024x512xf32>
      %max3A_41 = arith.maximumf %add3A_39, %max3A_40 : vector<1024x512xf32>
      %mul3A_42 = arith.constant 1024 : i32
      %mul3A_43 = arith.muli %arg1, %mul3A_42 : i32
      %swap3A = arith.index_cast %mul3A_43 : i32 to index
      %swap3A_44 = arith.constant 0 : index
      %swap3A_45 = vector.load %arg17[%swap3A, %swap3A_44] : memref<16384x512xf32, #tpu.memory_space<vmem>>, vector<1024x512xf32>
      tpu.vector_store %arg17[%swap3A, %swap3A_44], %max3A_41 {strides = array<i32>} : memref<16384x512xf32, #tpu.memory_space<vmem>>, vector<1024x512xf32>,
      %eq3A_46 = arith.constant 0 : i32
      %eq3A_47 = arith.cmpi eq, %arg1, %eq3A_46 : i32
      %convert_element_type3A_48 = arith.extui %eq3A_47 : i1 to i32
      %cond3A_49 = arith.constant 0 : i32
      %cond3A_50 = arith.cmpi ne, %convert_element_type3A_48, %cond3A_49 : i32
      scf.if %cond3A_50 {
        %broadcast_in_dim3A_70 = arith.constant 0.000000e+00 : f32
        %broadcast_in_dim3A_71 = vector.broadcast %broadcast_in_dim3A_70 : f32 to vector<2x512xf32>
        %swap3A_72 = arith.constant 0 : index
        %swap3A_73 = arith.constant 0 : index
        %swap3A_74 = vector.load %arg19[%swap3A_72, %swap3A_73] : memref<2x512xf32, #tpu.memory_space<vmem>>, vector<2x512xf32>
        tpu.vector_store %arg19[%swap3A_72, %swap3A_73], %broadcast_in_dim3A_71 {strides = array<i32>} : memref<2x512xf32, #tpu.memory_space<vmem>>, vector<2x512xf32>,
      } else {
      }
      %get3A_51 = arith.constant 0 : index
      %get3A_52 = arith.constant 0 : index
      %get3A_53 = vector.load %arg19[%get3A_51, %get3A_52] : memref<2x512xf32, #tpu.memory_space<vmem>>, vector<1x512xf32>
      %reduce_sum3A = arith.constant dense<0.000000e+00> : vector<512xf32>
      %reduce_sum3A_54 = vector.multi_reduction <add>, %max3A_41, %reduce_sum3A [0] : vector<1024x512xf32> to vector<512xf32>
      %broadcast_in_dim3A = vector.shape_cast %reduce_sum3A_54 : vector<512xf32> to vector<1x512xf32>
      %add3A_55 = arith.addf %get3A_53, %broadcast_in_dim3A : vector<1x512xf32>
      %swap3A_56 = arith.constant 0 : index
      %swap3A_57 = arith.constant 0 : index
      %swap3A_58 = vector.load %arg19[%swap3A_56, %swap3A_57] : memref<2x512xf32, #tpu.memory_space<vmem>>, vector<1x512xf32>
      tpu.vector_store %arg19[%swap3A_56, %swap3A_57], %add3A_55 {strides = array<i32>} : memref<2x512xf32, #tpu.memory_space<vmem>>, vector<1x512xf32>,
      %get3A_59 = arith.constant 1 : index
      %get3A_60 = arith.constant 0 : index
      %get3A_61 = vector.load %arg19[%get3A_59, %get3A_60] : memref<2x512xf32, #tpu.memory_space<vmem>>, vector<1x512xf32>
      %mul3A_62 = arith.mulf %max3A_41, %max3A_41 : vector<1024x512xf32>
      %reduce_sum3A_63 = arith.constant dense<0.000000e+00> : vector<512xf32>
      %reduce_sum3A_64 = vector.multi_reduction <add>, %mul3A_62, %reduce_sum3A_63 [0] : vector<1024x512xf32> to vector<512xf32>
      %broadcast_in_dim3A_65 = vector.shape_cast %reduce_sum3A_64 : vector<512xf32> to vector<1x512xf32>
      %add3A_66 = arith.addf %get3A_61, %broadcast_in_dim3A_65 : vector<1x512xf32>
      %swap3A_67 = arith.constant 1 : index
      %swap3A_68 = arith.constant 0 : index
      %swap3A_69 = vector.load %arg19[%swap3A_67, %swap3A_68] : memref<2x512xf32, #tpu.memory_space<vmem>>, vector<1x512xf32>
      tpu.vector_store %arg19[%swap3A_67, %swap3A_68], %add3A_66 {strides = array<i32>} : memref<2x512xf32, #tpu.memory_space<vmem>>, vector<1x512xf32>,
    } else {
    }
    %eq3A_2 = arith.constant 1 : i32
    %eq3A_3 = arith.cmpi eq, %arg0, %eq3A_2 : i32
    %convert_element_type3A_4 = arith.extui %eq3A_3 : i1 to i32
    %cond3A_5 = arith.constant 0 : i32
    %cond3A_6 = arith.cmpi ne, %convert_element_type3A_4, %cond3A_5 : i32
    scf.if %cond3A_6 {
      %get3A = arith.constant 0 : index
      %get3A_12 = arith.constant 0 : index
      %get3A_13 = vector.load %arg19[%get3A, %get3A_12] : memref<2x512xf32, #tpu.memory_space<vmem>>, vector<1x512xf32>
      %mul3A = arith.constant 6.10351563E-5 : f32
      %mul3A_14 = vector.broadcast %mul3A : f32 to vector<1x512xf32>
      %mul3A_15 = arith.mulf %get3A_13, %mul3A_14 : vector<1x512xf32>
      %get3A_16 = arith.constant 1 : index
      %get3A_17 = arith.constant 0 : index
      %get3A_18 = vector.load %arg19[%get3A_16, %get3A_17] : memref<2x512xf32, #tpu.memory_space<vmem>>, vector<1x512xf32>
      %mul3A_19 = arith.constant 6.10351563E-5 : f32
      %mul3A_20 = vector.broadcast %mul3A_19 : f32 to vector<1x512xf32>
      %mul3A_21 = arith.mulf %get3A_18, %mul3A_20 : vector<1x512xf32>
      %mul3A_22 = arith.mulf %mul3A_15, %mul3A_15 : vector<1x512xf32>
      %sub3A = arith.subf %mul3A_21, %mul3A_22 : vector<1x512xf32>
      %get3A_23 = arith.constant 0 : index
      %get3A_24 = arith.constant 0 : index
      %get3A_25 = vector.load %arg8[%get3A_23, %get3A_24] : memref<1x512xf32, #tpu.memory_space<vmem>>, vector<1x512xf32>
      %add3A = arith.constant 9.99999974E-6 : f32
      %add3A_26 = vector.broadcast %add3A : f32 to vector<1x512xf32>
      %add3A_27 = arith.addf %sub3A, %add3A_26 : vector<1x512xf32>
      %rsqrt3A = math.rsqrt %add3A_27 : vector<1x512xf32>
      %mul3A_28 = arith.mulf %get3A_25, %rsqrt3A : vector<1x512xf32>
      %get3A_29 = arith.constant 0 : index
      %get3A_30 = arith.constant 0 : index
      %get3A_31 = vector.load %arg9[%get3A_29, %get3A_30] : memref<1x512xf32, #tpu.memory_space<vmem>>, vector<1x512xf32>
      %mul3A_32 = arith.mulf %mul3A_15, %mul3A_28 : vector<1x512xf32>
      %sub3A_33 = arith.subf %get3A_31, %mul3A_32 : vector<1x512xf32>
      %mul3A_34 = arith.constant 1024 : i32
      %mul3A_35 = arith.muli %arg1, %mul3A_34 : i32
      %get3A_36 = arith.index_cast %mul3A_35 : i32 to index
      %get3A_37 = arith.constant 0 : index
      %get3A_38 = vector.load %arg17[%get3A_36, %get3A_37] : memref<16384x512xf32, #tpu.memory_space<vmem>>, vector<1024x512xf32>
      %mul3A_39 = vector.broadcast %mul3A_28 : vector<1x512xf32> to vector<1024x512xf32>
      %mul3A_40 = arith.mulf %get3A_38, %mul3A_39 : vector<1024x512xf32>
      %add3A_41 = vector.broadcast %sub3A_33 : vector<1x512xf32> to vector<1024x512xf32>
      %add3A_42 = arith.addf %mul3A_40, %add3A_41 : vector<1024x512xf32>
      %get3A_43 = arith.constant 0 : index
      %get3A_44 = arith.constant 0 : index
      %get3A_45 = vector.load %arg10[%get3A_43, %get3A_44] : memref<512x256xf32, #tpu.memory_space<vmem>>, vector<512x256xf32>
      %dot_general3A = arith.constant dense<0.000000e+00> : vector<1024x256xf32>
      %dot_general3A_46 = tpu.matmul %add3A_42, %get3A_45, %dot_general3A {dimension_numbers = #tpu.dot_dimension_numbers<[1], [0], [0], [1], [0, 0, 1, 1], [], []>, transpose_lhs_hint = false} : vector<1024x512xf32>, vector<512x256xf32>, vector<1024x256xf32> -> vector<1024x256xf32>
      %get3A_47 = arith.constant 0 : index
      %get3A_48 = arith.constant 0 : index
      %get3A_49 = vector.load %arg11[%get3A_47, %get3A_48] : memref<1x256xf32, #tpu.memory_space<vmem>>, vector<1x256xf32>
      %add3A_50 = vector.broadcast %get3A_49 : vector<1x256xf32> to vector<1024x256xf32>
      %add3A_51 = arith.addf %dot_general3A_46, %add3A_50 : vector<1024x256xf32>
      %max3A = arith.constant 0.000000e+00 : f32
      %max3A_52 = vector.broadcast %max3A : f32 to vector<1024x256xf32>
      %max3A_53 = arith.maximumf %add3A_51, %max3A_52 : vector<1024x256xf32>
      %mul3A_54 = arith.constant 1024 : i32
      %mul3A_55 = arith.muli %arg1, %mul3A_54 : i32
      %swap3A = arith.index_cast %mul3A_55 : i32 to index
      %swap3A_56 = arith.constant 0 : index
      %swap3A_57 = vector.load %arg18[%swap3A, %swap3A_56] : memref<16384x256xf32, #tpu.memory_space<vmem>>, vector<1024x256xf32>
      tpu.vector_store %arg18[%swap3A, %swap3A_56], %max3A_53 {strides = array<i32>} : memref<16384x256xf32, #tpu.memory_space<vmem>>, vector<1024x256xf32>,
      %eq3A_58 = arith.constant 0 : i32
      %eq3A_59 = arith.cmpi eq, %arg1, %eq3A_58 : i32
      %convert_element_type3A_60 = arith.extui %eq3A_59 : i1 to i32
      %cond3A_61 = arith.constant 0 : i32
      %cond3A_62 = arith.cmpi ne, %convert_element_type3A_60, %cond3A_61 : i32
      scf.if %cond3A_62 {
        %broadcast_in_dim3A_82 = arith.constant 0.000000e+00 : f32
        %broadcast_in_dim3A_83 = vector.broadcast %broadcast_in_dim3A_82 : f32 to vector<2x256xf32>
        %swap3A_84 = arith.constant 0 : index
        %swap3A_85 = arith.constant 0 : index
        %swap3A_86 = vector.load %arg20[%swap3A_84, %swap3A_85] : memref<2x256xf32, #tpu.memory_space<vmem>>, vector<2x256xf32>
        tpu.vector_store %arg20[%swap3A_84, %swap3A_85], %broadcast_in_dim3A_83 {strides = array<i32>} : memref<2x256xf32, #tpu.memory_space<vmem>>, vector<2x256xf32>,
      } else {
      }
      %get3A_63 = arith.constant 0 : index
      %get3A_64 = arith.constant 0 : index
      %get3A_65 = vector.load %arg20[%get3A_63, %get3A_64] : memref<2x256xf32, #tpu.memory_space<vmem>>, vector<1x256xf32>
      %reduce_sum3A = arith.constant dense<0.000000e+00> : vector<256xf32>
      %reduce_sum3A_66 = vector.multi_reduction <add>, %max3A_53, %reduce_sum3A [0] : vector<1024x256xf32> to vector<256xf32>
      %broadcast_in_dim3A = vector.shape_cast %reduce_sum3A_66 : vector<256xf32> to vector<1x256xf32>
      %add3A_67 = arith.addf %get3A_65, %broadcast_in_dim3A : vector<1x256xf32>
      %swap3A_68 = arith.constant 0 : index
      %swap3A_69 = arith.constant 0 : index
      %swap3A_70 = vector.load %arg20[%swap3A_68, %swap3A_69] : memref<2x256xf32, #tpu.memory_space<vmem>>, vector<1x256xf32>
      tpu.vector_store %arg20[%swap3A_68, %swap3A_69], %add3A_67 {strides = array<i32>} : memref<2x256xf32, #tpu.memory_space<vmem>>, vector<1x256xf32>,
      %get3A_71 = arith.constant 1 : index
      %get3A_72 = arith.constant 0 : index
      %get3A_73 = vector.load %arg20[%get3A_71, %get3A_72] : memref<2x256xf32, #tpu.memory_space<vmem>>, vector<1x256xf32>
      %mul3A_74 = arith.mulf %max3A_53, %max3A_53 : vector<1024x256xf32>
      %reduce_sum3A_75 = arith.constant dense<0.000000e+00> : vector<256xf32>
      %reduce_sum3A_76 = vector.multi_reduction <add>, %mul3A_74, %reduce_sum3A_75 [0] : vector<1024x256xf32> to vector<256xf32>
      %broadcast_in_dim3A_77 = vector.shape_cast %reduce_sum3A_76 : vector<256xf32> to vector<1x256xf32>
      %add3A_78 = arith.addf %get3A_73, %broadcast_in_dim3A_77 : vector<1x256xf32>
      %swap3A_79 = arith.constant 1 : index
      %swap3A_80 = arith.constant 0 : index
      %swap3A_81 = vector.load %arg20[%swap3A_79, %swap3A_80] : memref<2x256xf32, #tpu.memory_space<vmem>>, vector<1x256xf32>
      tpu.vector_store %arg20[%swap3A_79, %swap3A_80], %add3A_78 {strides = array<i32>} : memref<2x256xf32, #tpu.memory_space<vmem>>, vector<1x256xf32>,
    } else {
    }
    %eq3A_7 = arith.constant 2 : i32
    %eq3A_8 = arith.cmpi eq, %arg0, %eq3A_7 : i32
    %convert_element_type3A_9 = arith.extui %eq3A_8 : i1 to i32
    %cond3A_10 = arith.constant 0 : i32
    %cond3A_11 = arith.cmpi ne, %convert_element_type3A_9, %cond3A_10 : i32
    scf.if %cond3A_11 {
      %get3A = arith.constant 0 : index
      %get3A_12 = arith.constant 0 : index
      %get3A_13 = vector.load %arg20[%get3A, %get3A_12] : memref<2x256xf32, #tpu.memory_space<vmem>>, vector<1x256xf32>
      %mul3A = arith.constant 6.10351563E-5 : f32
      %mul3A_14 = vector.broadcast %mul3A : f32 to vector<1x256xf32>
      %mul3A_15 = arith.mulf %get3A_13, %mul3A_14 : vector<1x256xf32>
      %get3A_16 = arith.constant 1 : index
      %get3A_17 = arith.constant 0 : index
      %get3A_18 = vector.load %arg20[%get3A_16, %get3A_17] : memref<2x256xf32, #tpu.memory_space<vmem>>, vector<1x256xf32>
      %mul3A_19 = arith.constant 6.10351563E-5 : f32
      %mul3A_20 = vector.broadcast %mul3A_19 : f32 to vector<1x256xf32>
      %mul3A_21 = arith.mulf %get3A_18, %mul3A_20 : vector<1x256xf32>
      %mul3A_22 = arith.mulf %mul3A_15, %mul3A_15 : vector<1x256xf32>
      %sub3A = arith.subf %mul3A_21, %mul3A_22 : vector<1x256xf32>
      %get3A_23 = arith.constant 0 : index
      %get3A_24 = arith.constant 0 : index
      %get3A_25 = vector.load %arg12[%get3A_23, %get3A_24] : memref<1x256xf32, #tpu.memory_space<vmem>>, vector<1x256xf32>
      %add3A = arith.constant 9.99999974E-6 : f32
      %add3A_26 = vector.broadcast %add3A : f32 to vector<1x256xf32>
      %add3A_27 = arith.addf %sub3A, %add3A_26 : vector<1x256xf32>
      %rsqrt3A = math.rsqrt %add3A_27 : vector<1x256xf32>
      %mul3A_28 = arith.mulf %get3A_25, %rsqrt3A : vector<1x256xf32>
      %get3A_29 = arith.constant 0 : index
      %get3A_30 = arith.constant 0 : index
      %get3A_31 = vector.load %arg13[%get3A_29, %get3A_30] : memref<1x256xf32, #tpu.memory_space<vmem>>, vector<1x256xf32>
      %mul3A_32 = arith.mulf %mul3A_15, %mul3A_28 : vector<1x256xf32>
      %sub3A_33 = arith.subf %get3A_31, %mul3A_32 : vector<1x256xf32>
      %mul3A_34 = arith.constant 1024 : i32
      %mul3A_35 = arith.muli %arg1, %mul3A_34 : i32
      %get3A_36 = arith.index_cast %mul3A_35 : i32 to index
      %get3A_37 = arith.constant 0 : index
      %get3A_38 = vector.load %arg18[%get3A_36, %get3A_37] : memref<16384x256xf32, #tpu.memory_space<vmem>>, vector<1024x256xf32>
      %mul3A_39 = vector.broadcast %mul3A_28 : vector<1x256xf32> to vector<1024x256xf32>
      %mul3A_40 = arith.mulf %get3A_38, %mul3A_39 : vector<1024x256xf32>
      %add3A_41 = vector.broadcast %sub3A_33 : vector<1x256xf32> to vector<1024x256xf32>
      %add3A_42 = arith.addf %mul3A_40, %add3A_41 : vector<1024x256xf32>
      %get3A_43 = arith.constant 0 : index
      %get3A_44 = arith.constant 0 : index
      %get3A_45 = vector.load %arg14[%get3A_43, %get3A_44] : memref<256x10xf32, #tpu.memory_space<vmem>>, vector<256x10xf32>
      %dot_general3A = arith.constant dense<0.000000e+00> : vector<1024x10xf32>
      %dot_general3A_46 = tpu.matmul %add3A_42, %get3A_45, %dot_general3A {dimension_numbers = #tpu.dot_dimension_numbers<[1], [0], [0], [1], [0, 0, 1, 1], [], []>, transpose_lhs_hint = false} : vector<1024x256xf32>, vector<256x10xf32>, vector<1024x10xf32> -> vector<1024x10xf32>
      %get3A_47 = arith.constant 0 : index
      %get3A_48 = arith.constant 0 : index
      %get3A_49 = vector.load %arg15[%get3A_47, %get3A_48] : memref<1x10xf32, #tpu.memory_space<vmem>>, vector<1x10xf32>
      %add3A_50 = vector.broadcast %get3A_49 : vector<1x10xf32> to vector<1024x10xf32>
      %add3A_51 = arith.addf %dot_general3A_46, %add3A_50 : vector<1024x10xf32>
      %swap3A = arith.constant 0 : index
      %swap3A_52 = arith.constant 0 : index
      %swap3A_53 = vector.load %arg16[%swap3A, %swap3A_52] : memref<1024x10xf32, #tpu.memory_space<vmem>>, vector<1024x10xf32>
      tpu.vector_store %arg16[%swap3A, %swap3A_52], %add3A_51 {strides = array<i32>} : memref<1024x10xf32, #tpu.memory_space<vmem>>, vector<1024x10xf32>,
    } else {
    }
    return
  }
  func.func @transform_0(%arg0: i32, %arg1: i32) -> (i32, i32) {
    %eq3A = arith.constant 0 : i32
    %eq3A_0 = arith.cmpi eq, %arg0, %eq3A : i32
    %convert_element_type3A = arith.extui %eq3A_0 : i1 to i32
    %mul3A = arith.muli %arg1, %convert_element_type3A : i32
    %c0_i32 = arith.constant 0 : i32
    %c0_i32_1 = arith.constant 0 : i32
    return %c0_i32, %mul3A : i32, i32
  }
  func.func @transform_1(%arg0: i32, %arg1: i32) -> (i32, i32) {
    %eq3A = arith.constant 0 : i32
    %eq3A_0 = arith.cmpi eq, %arg0, %eq3A : i32
    %convert_element_type3A = arith.extui %eq3A_0 : i1 to i32
    %mul3A = arith.muli %arg1, %convert_element_type3A : i32
    %c0_i32 = arith.constant 0 : i32
    %c0_i32_1 = arith.constant 0 : i32
    return %mul3A, %c0_i32 : i32, i32
  }
  func.func @transform_2(%arg0: i32, %arg1: i32) -> (i32, i32) {
    %c0_i32 = arith.constant 0 : i32
    %c0_i32_0 = arith.constant 0 : i32
    %c0_i32_1 = arith.constant 0 : i32
    return %c0_i32, %c0_i32_0 : i32, i32
  }
  func.func @transform_3(%arg0: i32, %arg1: i32) -> (i32, i32) {
    %c0_i32 = arith.constant 0 : i32
    %c0_i32_0 = arith.constant 0 : i32
    %c0_i32_1 = arith.constant 0 : i32
    return %c0_i32, %c0_i32_0 : i32, i32
  }
  func.func @transform_4(%arg0: i32, %arg1: i32) -> (i32, i32) {
    %c0_i32 = arith.constant 0 : i32
    %c0_i32_0 = arith.constant 0 : i32
    %c0_i32_1 = arith.constant 0 : i32
    return %c0_i32, %c0_i32_0 : i32, i32
  }
  func.func @transform_5(%arg0: i32, %arg1: i32) -> (i32, i32) {
    %c0_i32 = arith.constant 0 : i32
    %c0_i32_0 = arith.constant 0 : i32
    %c0_i32_1 = arith.constant 0 : i32
    return %c0_i32, %c0_i32_0 : i32, i32
  }
  func.func @transform_6(%arg0: i32, %arg1: i32) -> (i32, i32) {
    %c0_i32 = arith.constant 0 : i32
    %c0_i32_0 = arith.constant 0 : i32
    %c0_i32_1 = arith.constant 0 : i32
    return %c0_i32, %c0_i32_0 : i32, i32
  }
  func.func @transform_7(%arg0: i32, %arg1: i32) -> (i32, i32) {
    %c0_i32 = arith.constant 0 : i32
    %c0_i32_0 = arith.constant 0 : i32
    %c0_i32_1 = arith.constant 0 : i32
    return %c0_i32, %c0_i32_0 : i32, i32
  }
  func.func @transform_8(%arg0: i32, %arg1: i32) -> (i32, i32) {
    %c0_i32 = arith.constant 0 : i32
    %c0_i32_0 = arith.constant 0 : i32
    %c0_i32_1 = arith.constant 0 : i32
    return %c0_i32, %c0_i32_0 : i32, i32
  }
  func.func @transform_9(%arg0: i32, %arg1: i32) -> (i32, i32) {
    %c0_i32 = arith.constant 0 : i32
    %c0_i32_0 = arith.constant 0 : i32
    %c0_i32_1 = arith.constant 0 : i32
    return %c0_i32, %c0_i32_0 : i32, i32
  }
  func.func @transform_10(%arg0: i32, %arg1: i32) -> (i32, i32) {
    %c0_i32 = arith.constant 0 : i32
    %c0_i32_0 = arith.constant 0 : i32
    %c0_i32_1 = arith.constant 0 : i32
    return %c0_i32, %c0_i32_0 : i32, i32
  }
  func.func @transform_11(%arg0: i32, %arg1: i32) -> (i32, i32) {
    %c0_i32 = arith.constant 0 : i32
    %c0_i32_0 = arith.constant 0 : i32
    %c0_i32_1 = arith.constant 0 : i32
    return %c0_i32, %c0_i32_0 : i32, i32
  }
  func.func @transform_12(%arg0: i32, %arg1: i32) -> (i32, i32) {
    %c0_i32 = arith.constant 0 : i32
    %c0_i32_0 = arith.constant 0 : i32
    %c0_i32_1 = arith.constant 0 : i32
    return %c0_i32, %c0_i32_0 : i32, i32
  }
  func.func @transform_13(%arg0: i32, %arg1: i32) -> (i32, i32) {
    %c0_i32 = arith.constant 0 : i32
    %c0_i32_0 = arith.constant 0 : i32
    %c0_i32_1 = arith.constant 0 : i32
    return %c0_i32, %c0_i32_0 : i32, i32
  }
  func.func @transform_14(%arg0: i32, %arg1: i32) -> (i32, i32) {
    %eq3A = arith.constant 2 : i32
    %eq3A_0 = arith.cmpi eq, %arg0, %eq3A : i32
    %convert_element_type3A = arith.extui %eq3A_0 : i1 to i32
    %mul3A = arith.muli %arg1, %convert_element_type3A : i32
    %c0_i32 = arith.constant 0 : i32
    %c0_i32_1 = arith.constant 0 : i32
    return %mul3A, %c0_i32 : i32, i32
  }
}

</mosaic_0001>

<sc_bundles>
// kernel: kernel.5.cloned.1.call-start
scs
__scs_entry_jumppad:
0x0: {  	(pc) =	sbr.rel $0x88, $3  }
0x1: {  	(tag) =	ssettag $0x0;
	lr =	simm.s32 $0x1  }
0x2: {  	[smem:$0x3F92] =	sst lr;
	_ =	strace $0xD0000000  }
0x3: {  	_ = 	snop  }
0x4: {  	_ = 	snop  }
0x5: {  	_ = 	snop  }
0x6: {  	_ = 	snop  }
0x7: {  	_ = 	snop  }
__scs_overlays_trampoline_lowered:
0x8: {  	[smem:$0x3FA1] =	sst s0  }
0x9: {  	[smem:$0x3FA2] =	sst s1  }
0xa: {  	[smem:$0x3FA3] =	sst s2  }
0xb: {  	[smem:$0x3FA4] =	sst s3  }
0xc: {  	[smem:$0x3FA5] =	sst s4  }
0xd: {  	[smem:$0x3FA6] =	sst s5  }
0xe: {  	[smem:$0x3FA7] =	sst s6  }
0xf: {  	[smem:$0x3FA8] =	sst s7  }
0x10: {  	[smem:$0x3FA9] =	sst s8  }
0x11: {  	[smem:$0x3FAA] =	sst s9;
	s0 =	simm.s32 @!p0 $0x0  }
0x12: {  	s1 =	sld [smem:$0x3F90];
	s0 =	simm.s32 @p0 $0x1  }
0x13: {  	[smem:$0x3FAB] =	sst s0;
	s0 =	simm.s32 @!p1 $0x0  }
0x14: {  	s2 =	sld [smem:$0x3F8F];
	s0 =	simm.s32 @p1 $0x1  }
0x15: {  	[smem:$0x3FAC] =	sst s0;
	s0 =	simm.s32 @!p2 $0x0  }
0x16: {  	s3 =	sld [smem:$0x3FDB];
	s0 =	simm.s32 @p2 $0x1  }
0x17: {  	s4 =	simm.s32 $0x1BF5;
	[smem:$0x3FAE] =	sst s0  }
0x18: {  	s0 =	sld [smem:$0x3F91];
	_ =	swait.ge [sflag:s4], $0x0  }
0x19: {  	s7 =	sld [smem:$0x3F92]  }
0x1a: {  	s8 =	sadd.s32 $0xFFFFE003, lr  }
0x1b: {  	s9 =	sadd.s32 $0xFFFFFEF7, lr;
	s5 =	simm.s32 $0xFFFFFFFF;
	p2 =	slt.u32 s8, $0xFFFFF086  }
0x1c: {  	p1 =	slt.u32 s9, $0xF7A;
	s5 =	simm.s32 @!p2 $0x0  }
0x1d: {  	s5 =	simm.s32 @p1 $0x1;
	p0 =	seq.s32 s7, s2  }
0x1e: {  	s7 =	smul.u32 @!p0 $0xF7A, s2;
	p2 =	seq.s32 @!p0 s5, $0x0  }
0x1f: {  	s9 =	smul.u32 $0xF7A, s1;
	s8 =	simm.s32 @!p0 $0x1BF5;
	p2 =	por !p2, p0  }
0x20: {  	[sflag:s8] =	ssyncset.s32 @!p0 $0xFFFFF086;
	s6 =	sadd.s32 @!p0 s3, s7;
	s7 =	simm.s32 @!p0 $0x108  }
0x21: {  	s3 =	sadd.s32 s3, s9;
	s6 =	sadd.s32 @!p0 $0x88, s6;
	s7 =	simm.s32 @p2 $0x1082  }
0x22: {  	[simem:s7], [sflag:s8] =	dma.local @!p0 [hbm:s6], $0xF7A  }
0x23: {  	s9 =	sor.u32 $0xD0000000, s2;
	s6 =	simm.s32 $0x108;
	_ =	swait.ge @!p0 [sflag:s8], $0x0  }
0x24: {  	s3 =	sadd.s32 $0x88, s3;
	s6 =	simm.s32 @!p1 $0x1082;
	[sflag:s4] =	ssyncset.s32 $0xFFFFF086  }
0x25: {  	[simem:s6], [sflag:s4] =	dma.local [hbm:s3], $0xF7A  }
0x26: {  	[smem:$0x3F92] =	sst s1;
	(tag) =	ssettag s2;
	_ =	strace s9  }
0x27: {  	s1 =	sld [smem:$0x3FA2]  }
0x28: {  	s2 =	sld [smem:$0x3FA3]  }
0x29: {  	s4 =	sld [smem:$0x3FA5]  }
0x2a: {  	p0 =	seq.s32 s5, $0x0;
	s5 =	sld [smem:$0x3FA6]  }
0x2b: {  	s6 =	sld [smem:$0x3FA7]  }
0x2c: {  	s7 =	sld [smem:$0x3FA8]  }
0x2d: {  	s3 =	simm.s32 $0x108;
	s8 =	sld [smem:$0x3FA9]  }
0x2e: {  	s3 =	simm.s32 @!p0 $0x1082;
	s9 =	sld [smem:$0x3FAA]  }
0x2f: {  	lr =	sadd.s32 s0, s3;
	s0 =	sld [smem:$0x3FA1]  }
0x30: {  	s3 =	sld [smem:$0x3FA4]  }
0x31: {  	[smem:$0x3FAD] =	sst s10  }
0x32: {  	s10 =	sld [smem:$0x3FAB];
	_ =	sdelay $0x3  }
0x33: {  	p0 =	seq.s32 s10, $0x1;
	s10 =	sld [smem:$0x3FAD];
	_ =	sdelay $0x3  }
0x34: {  	[smem:$0x3FAD] =	sst s10  }
0x35: {  	s10 =	sld [smem:$0x3FAC];
	_ =	sdelay $0x3  }
0x36: {  	p1 =	seq.s32 s10, $0x1;
	s10 =	sld [smem:$0x3FAD];
	_ =	sdelay $0x3  }
0x37: {  	[smem:$0x3FAD] =	sst s10  }
0x38: {  	s10 =	sld [smem:$0x3FAE]  }
0x39: {  	_ = 	snop;
	(pc) =	sbr.ind lr, $3  }
0x3a: {  	_ = 	snop  }
0x3b: {  	_ = 	snop  }
0x3c: {  	p2 =	seq.s32 s10, $0x1;
	s10 =	sld [smem:$0x3FAD]  }
0x3d: {  	_ =	shalt  }
0x3e: {  	_ =	shalt  }
0x3f: {  	_ =	shalt  }
0x40: {  	_ =	shalt  }
0x41: {  	_ =	shalt  }
0x42: {  	_ =	shalt  }
0x43: {  	_ =	shalt  }
0x44: {  	_ =	shalt  }
0x45: {  	_ =	shalt  }
0x46: {  	_ =	shalt  }
0x47: {  	_ =	shalt  }
0x48: {  	_ =	shalt  }
0x49: {  	_ =	shalt  }
0x4a: {  	_ =	shalt  }
0x4b: {  	_ =	shalt  }
0x4c: {  	_ =	shalt  }
0x4d: {  	_ =	shalt  }
0x4e: {  	_ =	shalt  }
0x4f: {  	_ =	shalt  }
0x50: {  	_ =	shalt  }
0x51: {  	_ =	shalt  }
0x52: {  	_ =	shalt  }
0x53: {  	_ =	shalt  }
0x54: {  	_ =	shalt  }
0x55: {  	_ =	shalt  }
0x56: {  	_ =	shalt  }
0x57: {  	_ =	shalt  }
0x58: {  	_ =	shalt  }
0x59: {  	_ =	shalt  }
0x5a: {  	_ =	shalt  }
0x5b: {  	_ =	shalt  }
0x5c: {  	_ =	shalt  }
0x5d: {  	_ =	shalt  }
0x5e: {  	_ =	shalt  }
0x5f: {  	_ =	shalt  }
0x60: {  	_ =	shalt  }
0x61: {  	_ =	shalt  }
0x62: {  	_ =	shalt  }
0x63: {  	_ =	shalt  }
0x64: {  	_ =	shalt  }
0x65: {  	_ =	shalt  }
0x66: {  	_ =	shalt  }
0x67: {  	_ =	shalt  }
0x68: {  	_ =	shalt  }
0x69: {  	_ =	shalt  }
0x6a: {  	_ =	shalt  }
0x6b: {  	_ =	shalt  }
0x6c: {  	_ =	shalt  }
0x6d: {  	_ =	shalt  }
0x6e: {  	_ =	shalt  }
0x6f: {  	_ =	shalt  }
0x70: {  	_ =	shalt  }
0x71: {  	_ =	shalt  }
0x72: {  	_ =	shalt  }
0x73: {  	_ =	shalt  }
0x74: {  	_ =	shalt  }
0x75: {  	_ =	shalt  }
0x76: {  	_ =	shalt  }
0x77: {  	_ =	shalt  }
0x78: {  	_ =	shalt  }
0x79: {  	_ =	shalt  }
0x7a: {  	_ =	shalt  }
0x7b: {  	_ =	shalt  }
0x7c: {  	_ =	shalt  }
0x7d: {  	_ =	shalt  }
0x7e: {  	_ =	shalt  }
0x7f: {  	_ =	shalt  }
0x80: {  	_ =	shalt  }
0x81: {  	_ =	shalt  }
0x82: {  	_ =	shalt  }
0x83: {  	_ =	shalt  }
0x84: {  	_ =	shalt  }
0x85: {  	_ =	shalt  }
0x86: {  	_ =	shalt  }
0x87: {  	_ =	shalt  }
.Lfunc_end0:
.L_simem_size_0:
called_computation_lowered:
.L_overlay_start_0:
0x88: {  	s2 =	sld [smem:$0x3FD9]  }
0x89: {  	s3 =	sld [smem:$0x3FFE];
	_ =	sdelay $0x1  }
0x8a: {  	s1 =	srdreg.scid  }
0x8b: {  	s0 =	sand.u32 $0x1, s1  }
0x8c: {  	s17 =	sshll.u32 s0, $0xA;
	s2 =	sadd.s32 s3, s2  }
0x8d: {  	s2 =	sadd.s32 s2, s17  }
0x8e: {  	[smem:$0x3FB9] =	sst s2  }
0x8f: {  	_ = 	snop  }
0x90: {  	s2 =	sld [smem:$0x3FC8]  }
0x91: {  	s18 =	sld [smem:$0x3FC7];
	(tm) =	ssettm $0x1  }
0x92: {  	s4 =	sld [smem:$0x3FFB];
	_ =	sdelay $0x3  }
0x93: {  	_ =	strace s4  }
0x94: {  	s4 =	sld [smem:$0x3FFC];
	_ =	sdelay $0x3  }
0x95: {  	_ =	strace s4  }
0x96: {  	s4 =	sld [smem:$0x3FFD];
	_ =	sdelay $0x3  }
0x97: {  	_ =	strace s4  }
0x98: {  	_ =	strace $0x8FFFFFFF  }
0x99: {  	s19 =	sld [smem:$0x3FDB];
	_ =	sdelay $0x1  }
0x9a: {  	s5 =	simm.s32 $_scs_section_size  }
0x9b: {  	s6 =	simm.s32 $_size__tile_overlayer_lowered;
	s7 =	simm.s32 $_tile_overlayer_lowered  }
0x9c: {  	s22 =	simm.s32 $0x1BFF;
	s21 =	sshll.u32 s7, $0x1;
	s4 =	sadd.s32 s5, s19  }
0x9d: {  	s8 =	simm.s32 $0x0;
	s20 =	sshll.u32 s6, $0x1;
	s6 =	sadd.s32 s21, s4  }
0x9e: {  	[timem:s8], [sflag:s22] =	dma.local [hbm:s6], s20  }
0x9f: {  	_ =	swait.ge [sflag:s22], s20  }
0xa0: {  	s5 =	ssub.s32 $0x0, s20;
	[sflag:s22] =	ssyncset.done $0x0  }
0xa1: {  	[sflag:s22] =	ssyncadd.s32 s5;
	_ =	sdelay $0x1  }
0xa2: {  	s23 =	simm.s32 $0x1B8B  }
0xa3: {  	_ =	swait.ge [sflag:s23], $0x1  }
0xa4: {  	[sflag:s23] =	ssyncset.done $0x0  }
0xa5: {  	s25 =	simm.s32 $0x1B8E;
	s24 =	sld [smem:$0x3FFE];
	[sflag:s23] =	ssyncadd.s32 $0xFFFFFFFF  }
0xa6: {  	s26 =	simm.s32 $execute0_lowered;
	[smem:$0x3FD2] =	sst s25  }
0xa7: {  	s6 =	sshll.u32 s26, $0x1;
	_ =	strace $0x80000046;
	[dreg:$0x1] =	wrdreg $0xFFFFFFFF  }
0xa8: {  	s28 =	simm.s32 $_size_execute0_lowered;
	s4 =	sadd.s32 s4, s6;
	[dreg:$0x0] =	wrdreg $0x0  }
0xa9: {  	s6 =	sshll.u32 s28, $0x1;
	[dreg:$0x2] =	wrdreg s4  }
0xaa: {  	[dreg:$0x3] =	wrdreg s6  }
0xab: {  	[dreg:$0x4] =	wrdreg $0xC0  }
0xac: {  	_ =	task [dreg:s8], $0x5FFFF  }
0xad: {  	[dreg:$0x1] =	wrdreg $0xFFFFFFFF  }
0xae: {  	[dreg:$0x0] =	wrdreg $0x60  }
0xaf: {  	[dreg:$0x2] =	wrdreg s18  }
0xb0: {  	[dreg:$0x3] =	wrdreg s2  }
0xb1: {  	[dreg:$0x4] =	wrdreg s24  }
0xb2: {  	[dreg:$0x5] =	wrdreg $0x9  }
0xb3: {  	_ =	task.clear_ibuf [dreg:s8], $0x6FFFF;
	_ =	strace $0x90000046  }
0xb4: {  	s29 =	simm.s32 $0x9;
	_ =	strace $0x80000048  }
0xb5: {  	_ =	swait.ge [sflag:s29], $0x1  }
0xb6: {  	[sflag:s29] =	ssyncadd.s32 $0xFFFFFFFF  }
0xb7: {  	_ =	strace $0x90000048  }
0xb8: {  	_ =	sfence  }
0xb9: {  	s30 =	sld [smem:$0x0];
	_ =	sdelay $0x2  }
0xba: {  	s31 =	sshll.u32 s1, $0xD;
	s1 =	sshrl.u32 s1, $0x2  }
0xbb: {  	s3 =	sand.u32 $0x4000, s31;
	s1 =	sadd.s32 s1, s30  }
0xbc: {  	s0 =	sor.u32 s3, s0;
	s1 =	sshll.u32 s1, $0x11  }
0xbd: {  	s0 =	sor.u32 s1, s0  }
0xbe: {  	s0 =	sadd.s32 $0x8F2B, s0  }
0xbf: {  	[sflag:s0] =	ssyncadd.remote.s32 $0x1  }
0xc0: {  	_ =	sfence.sel $0xFFFF  }
0xc1: {  	[dreg:$0x0] =	wrdreg $0xFFFFFFFF;
	(pc) =	sbr.abs _section_cstart, $3  }
0xc2: {  	[dreg:$0x1] =	wrdreg $0xFFFFFFFF  }
0xc3: {  	_ =	task.clear_ibuf [dreg:s8], $0x2FFFF;
	_ =	strace $0x9FFFFFFF  }
0xc4: {  	(tm) =	ssettm $0x7FFFFFFF  }
0xc5: {  	_ =	shalt  }
tec
execute0_lowered:
.L_overlay_start_1:
0x0: {  	(tag) =	ssettag $0x1  }
0x1: {  	s1 =	rddreg [dreg:$0x0]  }
0x2: {  	s2 =	rddreg [dreg:$0x1]  }
0x3: {  	s9 =	rddreg [dreg:$0x2]  }
0x4: {  	s0 =	rddreg [dreg:$0x3];
	s5 =	srdreg.scid  }
0x5: {  	s4 =	simm.s32 $0x0;
	s3 =	stileid.u32;
	s11 =	simm.s32 $0x80  }
0x6: {  	s12 =	simm.s32 $0x400;
	s13 =	simm.s32 $0x3;
	s14 =	simm.s32 $0x1C700  }
0x7: {  	s15 =	simm.s32 $0x1D700;
	s16 =	simm.s32 $0x1;
	s17 =	simm.s32 $0x2  }
0x8: {  	s18 =	simm.s32 $0x0;
	s5 =	sand.u32 $0x1, s5;
	[smem:$0x7FF] =	sst s4  }
0x9: {  	s7 =	sshll.u32 s3, $0x1;
	s6 =	ssub.s32 $0x2, s5;
	_ =	strace $0x80000047  }
0xa: {  	s7 =	sor.u32 s5, s7;
	s5 =	sadd.s32 $0x1200, s9;
	s8 =	sshrl.u32 s6, $0x1  }
0xb: {  	s10 =	ssub.s32 s6, s8;
	s6 =	smul.u32 $0xD, s7;
	s7 =	sadd.s32 $0x2200, s9  }
0xc: {  	s8 =	sadd.s32 $0x3200, s9;
	s9 =	sadd.s32 $0x4200, s9;
	s10 =	smax.u32 s10, $0x1  }
.LBB2_1:
0xd: {  	s20 =	simm.s32 $0xFFFFFFFF;
	s19 =	simm.s32 $0x0  }
.LBB2_2:
0xe: {  	s23 =	sadd.s32 s6, s19  }
0xf: {  	s21 =	sshrl.u32 s23, $0x3  }
0x10: {  	s22 =	sshll.u32 s23, $0x7;
	s24 =	smul.u32 $0xC3800, s21  }
0x11: {  	s22 =	sand.u32 $0x380, s22  }
0x12: {  	s24 =	sor.u32 s22, s24  }
0x13: {  	s25 =	smov.u32 s20;
	s20 =	sshrl.u32 s23, $0x4;
	s24 =	sshrl.u32 s24, $0x3  }
0x14: {  	p0 =	seq.s32 s20, s25;
	s24 =	sadd.s32 s1, s24  }
0x15: {  	[tilespmem:s4], [sflag:$0x3] =	stream.strided.gather [hbm4b:s24+s11], $0x18700, s12, s11, $0x38;
	[tilespmem:$0x1E700] =	vst v63  }
0x16: {  	s23 =	sand.u32 @!p0 $0x70, s23;
	s24 =	sshll.u32 @!p0 s20, $0xB  }
0x17: {  	s25 =	simm.s32 @!p0 $0x400;
	s23 =	sadd.s32 @!p0 s2, s23;
	s24 =	sand.u32 @!p0 $0xFFFC000, s24  }
0x18: {  	s26 =	simm.s32 @!p0 $0x18700;
	s23 =	sadd.s32 @!p0 s24, s23;
	s24 =	simm.s32 @!p0 $0x80  }
0x19: {  	[tilespmem:s26], [sflag:$0x4] =	stream.strided.gather @!p0 [hbm4b:s23+s24], $0x4000, s25, s24, $0x38;
	[tilespmem:$0x1E700] =	vst v63  }
0x1a: {  	s23 =	simm.s32 @!p0 $0x4  }
0x1b: {  	_ =	swait.ge @!p0 [sflag:s23], $0x4000  }
0x1c: {  	p1 =	seq.s32 s19, $0x0;
	[sflag:s23] =	ssyncset.done @!p0 $0x0  }
0x1d: {  	[sflag:s23] =	ssyncadd.s32 @!p0 $0xFFFFC000;
	s23 =	simm.s32 @!p1 $0x1  }
0x1e: {  	_ =	swait.ge @!p1 [sflag:s23], $0x1000  }
0x1f: {  	[sflag:s23] =	ssyncset.done @!p1 $0x0  }
0x20: {  	[sflag:s23] =	ssyncadd.s32 @!p1 $0xFFFFF000;
	s23 =	simm.s32 @!p1 $0x2  }
0x21: {  	_ =	swait.ge @!p1 [sflag:s23], $0x1000  }
0x22: {  	[sflag:s23] =	ssyncset.done @!p1 $0x0  }
0x23: {  	[sflag:s23] =	ssyncadd.s32 @!p1 $0xFFFFF000  }
0x24: {  	_ =	swait.ge [sflag:s13], $0x18700  }
0x25: {  	[sflag:s13] =	ssyncset.done $0x0  }
0x26: {  	s31 =	simm.s32 $0x18780;
	[sflag:s13] =	ssyncadd.s32 $0xFFFE7900  }
0x27: {  	v0 =	vld [tilespmem:s31+$0x70]  }
0x28: {  	v1 =	vld [tilespmem:s31+$0xFFFFFF90]  }
0x29: {  	v2 =	vld [tilespmem:s31+$0xFFFFFFA0]  }
0x2a: {  	v3 =	vld [tilespmem:s31+$0xFFFFFFB0]  }
0x2b: {  	v4 =	vld [tilespmem:s31+$0xFFFFFFC0]  }
0x2c: {  	v5 =	vld [tilespmem:s31+$0xFFFFFFD0]  }
0x2d: {  	v6 =	vld [tilespmem:s31+$0xFFFFFFE0]  }
0x2e: {  	v7 =	vld [tilespmem:s31+$0xFFFFFFF0]  }
0x2f: {  	v8 =	vld [tilespmem:s31+$0x0]  }
0x30: {  	v9 =	vld [tilespmem:s31+$0x10]  }
0x31: {  	v10 =	vld [tilespmem:s31+$0x20]  }
0x32: {  	v11 =	vld [tilespmem:s31+$0x30]  }
0x33: {  	v12 =	vld [tilespmem:s31+$0x40]  }
0x34: {  	v13 =	vld [tilespmem:s31+$0x50]  }
0x35: {  	v14 =	vld [tilespmem:s31+$0x60]  }
0x36: {  	v15 =	vld [tilespmem:s31+$0xFFFFFF80]  }
0x37: {  	v0 =	vld.idx.msk [tilespmem:v0+s4+$0x0], $0xffff  }
0x38: {  	v1 =	vld.idx.msk [tilespmem:v1+s4+$0x0], $0xffff  }
0x39: {  	v2 =	vld.idx.msk [tilespmem:v2+s4+$0x0], $0xffff  }
0x3a: {  	v3 =	vld.idx.msk [tilespmem:v3+s4+$0x0], $0xffff  }
0x3b: {  	v4 =	vld.idx.msk [tilespmem:v4+s4+$0x0], $0xffff  }
0x3c: {  	s23 =	simm.s32 $0x1C780;
	v5 =	vld.idx.msk [tilespmem:v5+s4+$0x0], $0xffff  }
0x3d: {  	v6 =	vld.idx.msk [tilespmem:v6+s4+$0x0], $0xffff;
	[tilespmem:s23+$0x70] =	vst v0  }
0x3e: {  	v7 =	vld.idx.msk [tilespmem:v7+s4+$0x0], $0xffff;
	[tilespmem:s23+$0xFFFFFF90] =	vst v1  }
0x3f: {  	v15 =	vld.idx.msk [tilespmem:v15+s4+$0x0], $0xffff;
	[tilespmem:s23+$0xFFFFFFA0] =	vst v2  }
0x40: {  	v8 =	vld.idx.msk [tilespmem:v8+s4+$0x0], $0xffff;
	[tilespmem:s23+$0xFFFFFFB0] =	vst v3  }
0x41: {  	[tilespmem:s23+$0xFFFFFFC0] =	vst v4;
	v0 =	vld.idx.msk [tilespmem:v9+s4+$0x0], $0xffff  }
0x42: {  	[tilespmem:s23+$0xFFFFFFD0] =	vst v5;
	v1 =	vld.idx.msk [tilespmem:v10+s4+$0x0], $0xffff  }
0x43: {  	[tilespmem:s23+$0xFFFFFFE0] =	vst v6;
	v2 =	vld.idx.msk [tilespmem:v11+s4+$0x0], $0xffff  }
0x44: {  	[tilespmem:s23+$0xFFFFFFF0] =	vst v7;
	v3 =	vld.idx.msk [tilespmem:v12+s4+$0x0], $0xffff  }
0x45: {  	[tilespmem:s23+$0xFFFFFF80] =	vst v15;
	v4 =	vld.idx.msk [tilespmem:v13+s4+$0x0], $0xffff  }
0x46: {  	s24 =	simm.s32 $0x0;
	s25 =	simm.s32 $0x18880;
	[tilespmem:s23+$0x0] =	vst v8;
	v5 =	vld.idx.msk [tilespmem:v14+s4+$0x0], $0xffff  }
.LBB2_3:
0x47: {  	v6 =	vld [tilespmem:s25+$0x70];
	s24 =	sadd.s32 $0x100, s24;
	[tilespmem:s23+$0x10] =	vst v0  }
0x48: {  	v0 =	vld [tilespmem:s25+$0xFFFFFF90];
	p0 =	slt.u32 s24, $0xF00;
	[tilespmem:s23+$0x20] =	vst v1  }
0x49: {  	v1 =	vld [tilespmem:s25+$0xFFFFFFA0];
	[tilespmem:s23+$0x30] =	vst v2  }
0x4a: {  	v2 =	vld [tilespmem:s25+$0xFFFFFFB0];
	[tilespmem:s23+$0x40] =	vst v3  }
0x4b: {  	v3 =	vld [tilespmem:s25+$0xFFFFFFC0];
	[tilespmem:s23+$0x50] =	vst v4  }
0x4c: {  	v4 =	vld [tilespmem:s25+$0xFFFFFFD0];
	[tilespmem:s23+$0x60] =	vst v5  }
0x4d: {  	v5 =	vld [tilespmem:s25+$0xFFFFFFE0]  }
0x4e: {  	v7 =	vld [tilespmem:s25+$0xFFFFFFF0]  }
0x4f: {  	v6 =	vld.idx.msk [tilespmem:v6+s4+$0x0], $0xffff  }
0x50: {  	v8 =	vld [tilespmem:s25+$0x0]  }
0x51: {  	v9 =	vld [tilespmem:s25+$0x10]  }
0x52: {  	v10 =	vld [tilespmem:s25+$0x20]  }
0x53: {  	v11 =	vld [tilespmem:s25+$0x30]  }
0x54: {  	s23 =	sadd.s32 $0x100, s23;
	v12 =	vld [tilespmem:s25+$0x40]  }
0x55: {  	v13 =	vld [tilespmem:s25+$0x50];
	[tilespmem:s23+$0x70] =	vst v6  }
0x56: {  	v6 =	vld [tilespmem:s25+$0x60]  }
0x57: {  	v14 =	vld [tilespmem:s25+$0xFFFFFF80]  }
0x58: {  	v0 =	vld.idx.msk [tilespmem:v0+s4+$0x0], $0xffff  }
0x59: {  	v1 =	vld.idx.msk [tilespmem:v1+s4+$0x0], $0xffff  }
0x5a: {  	v2 =	vld.idx.msk [tilespmem:v2+s4+$0x0], $0xffff  }
0x5b: {  	v3 =	vld.idx.msk [tilespmem:v3+s4+$0x0], $0xffff  }
0x5c: {  	v4 =	vld.idx.msk [tilespmem:v4+s4+$0x0], $0xffff  }
0x5d: {  	v5 =	vld.idx.msk [tilespmem:v5+s4+$0x0], $0xffff  }
0x5e: {  	[tilespmem:s23+$0xFFFFFF90] =	vst v0;
	v7 =	vld.idx.msk [tilespmem:v7+s4+$0x0], $0xffff  }
0x5f: {  	v14 =	vld.idx.msk [tilespmem:v14+s4+$0x0], $0xffff;
	[tilespmem:s23+$0xFFFFFFA0] =	vst v1  }
0x60: {  	[tilespmem:s23+$0xFFFFFFB0] =	vst v2;
	v8 =	vld.idx.msk [tilespmem:v8+s4+$0x0], $0xffff  }
0x61: {  	[tilespmem:s23+$0xFFFFFFC0] =	vst v3;
	v0 =	vld.idx.msk [tilespmem:v9+s4+$0x0], $0xffff  }
.Ltmp0:
0x62: {  	[tilespmem:s23+$0xFFFFFFD0] =	vst v4;
	v1 =	vld.idx.msk [tilespmem:v10+s4+$0x0], $0xffff;
	(pc) =	sbr.rel @p0 .LBB2_3-.Ltmp0, $4  }
0x63: {  	[tilespmem:s23+$0xFFFFFFE0] =	vst v5;
	v2 =	vld.idx.msk [tilespmem:v11+s4+$0x0], $0xffff  }
0x64: {  	[tilespmem:s23+$0xFFFFFFF0] =	vst v7;
	v3 =	vld.idx.msk [tilespmem:v12+s4+$0x0], $0xffff  }
0x65: {  	[tilespmem:s23+$0xFFFFFF80] =	vst v14;
	v4 =	vld.idx.msk [tilespmem:v13+s4+$0x0], $0xffff  }
0x66: {  	s25 =	sadd.s32 $0x100, s25;
	[tilespmem:s23+$0x0] =	vst v8;
	v5 =	vld.idx.msk [tilespmem:v6+s4+$0x0], $0xffff  }
0x67: {  	[tilespmem:s23+$0x10] =	vst v0  }
0x68: {  	[tilespmem:s23+$0x20] =	vst v1  }
0x69: {  	s21 =	sshll.u32 s21, $0x11;
	[tilespmem:s23+$0x30] =	vst v2  }
0x6a: {  	s21 =	sor.u32 s22, s21;
	[tilespmem:s23+$0x40] =	vst v3  }
0x6b: {  	s21 =	sshrl.u32 s21, $0x3;
	[tilespmem:s23+$0x50] =	vst v4  }
0x6c: {  	s31 =	simm.s32 $0x197F0;
	s30 =	sadd.s32 s5, s21;
	[tilespmem:s23+$0x60] =	vst v5  }
0x6d: {  	[hbm4b:s30+s11] =	stream.strided.scatter [tilespmem:s14], [sflag:$0x1], $0x1000, s12, s11, $0x38;
	[tilespmem:$0x1E700] =	vst v63  }
0x6e: {  	v0 =	vld [tilespmem:s31+$0x0]  }
0x6f: {  	v1 =	vld [tilespmem:s31+$0xFFFFFF20]  }
0x70: {  	v2 =	vld [tilespmem:s31+$0xFFFFFF30]  }
0x71: {  	v3 =	vld [tilespmem:s31+$0xFFFFFF40]  }
0x72: {  	v4 =	vld [tilespmem:s31+$0xFFFFFF50]  }
0x73: {  	v5 =	vld [tilespmem:s31+$0xFFFFFF60]  }
0x74: {  	v6 =	vld [tilespmem:s31+$0xFFFFFF70]  }
0x75: {  	v7 =	vld [tilespmem:s31+$0xFFFFFF80]  }
0x76: {  	v8 =	vld [tilespmem:s31+$0xFFFFFF90]  }
0x77: {  	v9 =	vld [tilespmem:s31+$0xFFFFFFA0]  }
0x78: {  	v10 =	vld [tilespmem:s31+$0xFFFFFFB0]  }
0x79: {  	v11 =	vld [tilespmem:s31+$0xFFFFFFC0]  }
0x7a: {  	v12 =	vld [tilespmem:s31+$0xFFFFFFD0]  }
0x7b: {  	v13 =	vld [tilespmem:s31+$0xFFFFFFE0]  }
0x7c: {  	v14 =	vld [tilespmem:s31+$0xFFFFFFF0]  }
0x7d: {  	v15 =	vld [tilespmem:s31+$0xFFFFFF10]  }
0x7e: {  	v0 =	vld.idx.msk [tilespmem:v0+s4+$0x0], $0xffff  }
0x7f: {  	v1 =	vld.idx.msk [tilespmem:v1+s4+$0x0], $0xffff  }
0x80: {  	v2 =	vld.idx.msk [tilespmem:v2+s4+$0x0], $0xffff  }
0x81: {  	v3 =	vld.idx.msk [tilespmem:v3+s4+$0x0], $0xffff  }
0x82: {  	v4 =	vld.idx.msk [tilespmem:v4+s4+$0x0], $0xffff  }
0x83: {  	s22 =	simm.s32 $0x1D780;
	v5 =	vld.idx.msk [tilespmem:v5+s4+$0x0], $0xffff  }
0x84: {  	v6 =	vld.idx.msk [tilespmem:v6+s4+$0x0], $0xffff;
	[tilespmem:s22+$0x70] =	vst v0  }
0x85: {  	v7 =	vld.idx.msk [tilespmem:v7+s4+$0x0], $0xffff;
	[tilespmem:s22+$0xFFFFFF90] =	vst v1  }
0x86: {  	v15 =	vld.idx.msk [tilespmem:v15+s4+$0x0], $0xffff;
	[tilespmem:s22+$0xFFFFFFA0] =	vst v2  }
0x87: {  	v8 =	vld.idx.msk [tilespmem:v8+s4+$0x0], $0xffff;
	[tilespmem:s22+$0xFFFFFFB0] =	vst v3  }
0x88: {  	[tilespmem:s22+$0xFFFFFFC0] =	vst v4;
	v0 =	vld.idx.msk [tilespmem:v9+s4+$0x0], $0xffff  }
0x89: {  	[tilespmem:s22+$0xFFFFFFD0] =	vst v5;
	v1 =	vld.idx.msk [tilespmem:v10+s4+$0x0], $0xffff  }
0x8a: {  	[tilespmem:s22+$0xFFFFFFE0] =	vst v6;
	v2 =	vld.idx.msk [tilespmem:v11+s4+$0x0], $0xffff  }
0x8b: {  	[tilespmem:s22+$0xFFFFFFF0] =	vst v7;
	v3 =	vld.idx.msk [tilespmem:v12+s4+$0x0], $0xffff  }
0x8c: {  	[tilespmem:s22+$0xFFFFFF80] =	vst v15;
	v4 =	vld.idx.msk [tilespmem:v13+s4+$0x0], $0xffff  }
0x8d: {  	s24 =	simm.s32 $0x198F0;
	s23 =	simm.s32 $0x0;
	[tilespmem:s22+$0x0] =	vst v8;
	v5 =	vld.idx.msk [tilespmem:v14+s4+$0x0], $0xffff  }
.LBB2_5:
0x8e: {  	v6 =	vld [tilespmem:s24+$0x0];
	s23 =	sadd.s32 $0x100, s23;
	[tilespmem:s22+$0x10] =	vst v0  }
0x8f: {  	v0 =	vld [tilespmem:s24+$0xFFFFFF20];
	p0 =	slt.u32 s23, $0xF00;
	[tilespmem:s22+$0x20] =	vst v1  }
0x90: {  	v1 =	vld [tilespmem:s24+$0xFFFFFF30];
	[tilespmem:s22+$0x30] =	vst v2  }
0x91: {  	v2 =	vld [tilespmem:s24+$0xFFFFFF40];
	[tilespmem:s22+$0x40] =	vst v3  }
0x92: {  	v3 =	vld [tilespmem:s24+$0xFFFFFF50];
	[tilespmem:s22+$0x50] =	vst v4  }
0x93: {  	v4 =	vld [tilespmem:s24+$0xFFFFFF60];
	[tilespmem:s22+$0x60] =	vst v5  }
0x94: {  	v5 =	vld [tilespmem:s24+$0xFFFFFF70]  }
0x95: {  	v7 =	vld [tilespmem:s24+$0xFFFFFF80]  }
0x96: {  	v6 =	vld.idx.msk [tilespmem:v6+s4+$0x0], $0xffff  }
0x97: {  	v8 =	vld [tilespmem:s24+$0xFFFFFF90]  }
0x98: {  	v9 =	vld [tilespmem:s24+$0xFFFFFFA0]  }
0x99: {  	v10 =	vld [tilespmem:s24+$0xFFFFFFB0]  }
0x9a: {  	v11 =	vld [tilespmem:s24+$0xFFFFFFC0]  }
0x9b: {  	s22 =	sadd.s32 $0x100, s22;
	v12 =	vld [tilespmem:s24+$0xFFFFFFD0]  }
0x9c: {  	v13 =	vld [tilespmem:s24+$0xFFFFFFE0];
	[tilespmem:s22+$0x70] =	vst v6  }
0x9d: {  	v6 =	vld [tilespmem:s24+$0xFFFFFFF0]  }
0x9e: {  	v14 =	vld [tilespmem:s24+$0xFFFFFF10]  }
0x9f: {  	v0 =	vld.idx.msk [tilespmem:v0+s4+$0x0], $0xffff  }
0xa0: {  	v1 =	vld.idx.msk [tilespmem:v1+s4+$0x0], $0xffff  }
0xa1: {  	v2 =	vld.idx.msk [tilespmem:v2+s4+$0x0], $0xffff  }
0xa2: {  	v3 =	vld.idx.msk [tilespmem:v3+s4+$0x0], $0xffff  }
0xa3: {  	v4 =	vld.idx.msk [tilespmem:v4+s4+$0x0], $0xffff  }
0xa4: {  	v5 =	vld.idx.msk [tilespmem:v5+s4+$0x0], $0xffff  }
0xa5: {  	[tilespmem:s22+$0xFFFFFF90] =	vst v0;
	v7 =	vld.idx.msk [tilespmem:v7+s4+$0x0], $0xffff  }
0xa6: {  	v14 =	vld.idx.msk [tilespmem:v14+s4+$0x0], $0xffff;
	[tilespmem:s22+$0xFFFFFFA0] =	vst v1  }
0xa7: {  	[tilespmem:s22+$0xFFFFFFB0] =	vst v2;
	v8 =	vld.idx.msk [tilespmem:v8+s4+$0x0], $0xffff  }
0xa8: {  	[tilespmem:s22+$0xFFFFFFC0] =	vst v3;
	v0 =	vld.idx.msk [tilespmem:v9+s4+$0x0], $0xffff  }
.Ltmp1:
0xa9: {  	[tilespmem:s22+$0xFFFFFFD0] =	vst v4;
	v1 =	vld.idx.msk [tilespmem:v10+s4+$0x0], $0xffff;
	(pc) =	sbr.rel @p0 .LBB2_5-.Ltmp1, $4  }
0xaa: {  	[tilespmem:s22+$0xFFFFFFE0] =	vst v5;
	v2 =	vld.idx.msk [tilespmem:v11+s4+$0x0], $0xffff  }
0xab: {  	[tilespmem:s22+$0xFFFFFFF0] =	vst v7;
	v3 =	vld.idx.msk [tilespmem:v12+s4+$0x0], $0xffff  }
0xac: {  	[tilespmem:s22+$0xFFFFFF80] =	vst v14;
	v4 =	vld.idx.msk [tilespmem:v13+s4+$0x0], $0xffff  }
0xad: {  	s24 =	sadd.s32 $0x100, s24;
	[tilespmem:s22+$0x0] =	vst v8;
	v5 =	vld.idx.msk [tilespmem:v6+s4+$0x0], $0xffff  }
0xae: {  	[tilespmem:s22+$0x10] =	vst v0  }
0xaf: {  	[tilespmem:s22+$0x20] =	vst v1  }
0xb0: {  	[tilespmem:s22+$0x30] =	vst v2  }
0xb1: {  	[tilespmem:s22+$0x40] =	vst v3  }
0xb2: {  	[tilespmem:s22+$0x50] =	vst v4  }
0xb3: {  	s30 =	sadd.s32 s21, s7;
	[tilespmem:s22+$0x60] =	vst v5  }
0xb4: {  	[hbm4b:s30+s11] =	stream.strided.scatter [tilespmem:s15], [sflag:$0x2], $0x1000, s12, s11, $0x38;
	[tilespmem:$0x1E700] =	vst v63  }
0xb5: {  	_ =	swait.ge [sflag:s16], $0x1000  }
0xb6: {  	[sflag:s16] =	ssyncset.done $0x0  }
0xb7: {  	s31 =	simm.s32 $0x1A7F0;
	[sflag:s16] =	ssyncadd.s32 $0xFFFFF000  }
0xb8: {  	v0 =	vld [tilespmem:s31+$0x0]  }
0xb9: {  	v1 =	vld [tilespmem:s31+$0xFFFFFF20]  }
0xba: {  	v2 =	vld [tilespmem:s31+$0xFFFFFF30]  }
0xbb: {  	v3 =	vld [tilespmem:s31+$0xFFFFFF40]  }
0xbc: {  	v4 =	vld [tilespmem:s31+$0xFFFFFF50]  }
0xbd: {  	v5 =	vld [tilespmem:s31+$0xFFFFFF60]  }
0xbe: {  	v6 =	vld [tilespmem:s31+$0xFFFFFF70]  }
0xbf: {  	v7 =	vld [tilespmem:s31+$0xFFFFFF80]  }
0xc0: {  	v8 =	vld [tilespmem:s31+$0xFFFFFF90]  }
0xc1: {  	v9 =	vld [tilespmem:s31+$0xFFFFFFA0]  }
0xc2: {  	v10 =	vld [tilespmem:s31+$0xFFFFFFB0]  }
0xc3: {  	v11 =	vld [tilespmem:s31+$0xFFFFFFC0]  }
0xc4: {  	v12 =	vld [tilespmem:s31+$0xFFFFFFD0]  }
0xc5: {  	v13 =	vld [tilespmem:s31+$0xFFFFFFE0]  }
0xc6: {  	v14 =	vld [tilespmem:s31+$0xFFFFFFF0]  }
0xc7: {  	v15 =	vld [tilespmem:s31+$0xFFFFFF10]  }
0xc8: {  	v0 =	vld.idx.msk [tilespmem:v0+s4+$0x0], $0xffff  }
0xc9: {  	v1 =	vld.idx.msk [tilespmem:v1+s4+$0x0], $0xffff  }
0xca: {  	v2 =	vld.idx.msk [tilespmem:v2+s4+$0x0], $0xffff  }
0xcb: {  	v3 =	vld.idx.msk [tilespmem:v3+s4+$0x0], $0xffff  }
0xcc: {  	v4 =	vld.idx.msk [tilespmem:v4+s4+$0x0], $0xffff  }
0xcd: {  	s22 =	simm.s32 $0x1C780;
	v5 =	vld.idx.msk [tilespmem:v5+s4+$0x0], $0xffff  }
0xce: {  	v6 =	vld.idx.msk [tilespmem:v6+s4+$0x0], $0xffff;
	[tilespmem:s22+$0x70] =	vst v0  }
0xcf: {  	v7 =	vld.idx.msk [tilespmem:v7+s4+$0x0], $0xffff;
	[tilespmem:s22+$0xFFFFFF90] =	vst v1  }
0xd0: {  	v15 =	vld.idx.msk [tilespmem:v15+s4+$0x0], $0xffff;
	[tilespmem:s22+$0xFFFFFFA0] =	vst v2  }
0xd1: {  	v8 =	vld.idx.msk [tilespmem:v8+s4+$0x0], $0xffff;
	[tilespmem:s22+$0xFFFFFFB0] =	vst v3  }
0xd2: {  	[tilespmem:s22+$0xFFFFFFC0] =	vst v4;
	v0 =	vld.idx.msk [tilespmem:v9+s4+$0x0], $0xffff  }
0xd3: {  	[tilespmem:s22+$0xFFFFFFD0] =	vst v5;
	v1 =	vld.idx.msk [tilespmem:v10+s4+$0x0], $0xffff  }
0xd4: {  	[tilespmem:s22+$0xFFFFFFE0] =	vst v6;
	v2 =	vld.idx.msk [tilespmem:v11+s4+$0x0], $0xffff  }
0xd5: {  	[tilespmem:s22+$0xFFFFFFF0] =	vst v7;
	v3 =	vld.idx.msk [tilespmem:v12+s4+$0x0], $0xffff  }
0xd6: {  	[tilespmem:s22+$0xFFFFFF80] =	vst v15;
	v4 =	vld.idx.msk [tilespmem:v13+s4+$0x0], $0xffff  }
0xd7: {  	s23 =	simm.s32 $0x0;
	s24 =	simm.s32 $0x1A8F0;
	[tilespmem:s22+$0x0] =	vst v8;
	v5 =	vld.idx.msk [tilespmem:v14+s4+$0x0], $0xffff  }
.LBB2_7:
0xd8: {  	v6 =	vld [tilespmem:s24+$0x0];
	s23 =	sadd.s32 $0x100, s23;
	[tilespmem:s22+$0x10] =	vst v0  }
0xd9: {  	v0 =	vld [tilespmem:s24+$0xFFFFFF20];
	p0 =	slt.u32 s23, $0xF00;
	[tilespmem:s22+$0x20] =	vst v1  }
0xda: {  	v1 =	vld [tilespmem:s24+$0xFFFFFF30];
	[tilespmem:s22+$0x30] =	vst v2  }
0xdb: {  	v2 =	vld [tilespmem:s24+$0xFFFFFF40];
	[tilespmem:s22+$0x40] =	vst v3  }
0xdc: {  	v3 =	vld [tilespmem:s24+$0xFFFFFF50];
	[tilespmem:s22+$0x50] =	vst v4  }
0xdd: {  	v4 =	vld [tilespmem:s24+$0xFFFFFF60];
	[tilespmem:s22+$0x60] =	vst v5  }
0xde: {  	v5 =	vld [tilespmem:s24+$0xFFFFFF70]  }
0xdf: {  	v7 =	vld [tilespmem:s24+$0xFFFFFF80]  }
0xe0: {  	v6 =	vld.idx.msk [tilespmem:v6+s4+$0x0], $0xffff  }
0xe1: {  	v8 =	vld [tilespmem:s24+$0xFFFFFF90]  }
0xe2: {  	v9 =	vld [tilespmem:s24+$0xFFFFFFA0]  }
0xe3: {  	v10 =	vld [tilespmem:s24+$0xFFFFFFB0]  }
0xe4: {  	v11 =	vld [tilespmem:s24+$0xFFFFFFC0]  }
0xe5: {  	s22 =	sadd.s32 $0x100, s22;
	v12 =	vld [tilespmem:s24+$0xFFFFFFD0]  }
0xe6: {  	v13 =	vld [tilespmem:s24+$0xFFFFFFE0];
	[tilespmem:s22+$0x70] =	vst v6  }
0xe7: {  	v6 =	vld [tilespmem:s24+$0xFFFFFFF0]  }
0xe8: {  	v14 =	vld [tilespmem:s24+$0xFFFFFF10]  }
0xe9: {  	v0 =	vld.idx.msk [tilespmem:v0+s4+$0x0], $0xffff  }
0xea: {  	v1 =	vld.idx.msk [tilespmem:v1+s4+$0x0], $0xffff  }
0xeb: {  	v2 =	vld.idx.msk [tilespmem:v2+s4+$0x0], $0xffff  }
0xec: {  	v3 =	vld.idx.msk [tilespmem:v3+s4+$0x0], $0xffff  }
0xed: {  	v4 =	vld.idx.msk [tilespmem:v4+s4+$0x0], $0xffff  }
0xee: {  	v5 =	vld.idx.msk [tilespmem:v5+s4+$0x0], $0xffff  }
0xef: {  	[tilespmem:s22+$0xFFFFFF90] =	vst v0;
	v7 =	vld.idx.msk [tilespmem:v7+s4+$0x0], $0xffff  }
0xf0: {  	v14 =	vld.idx.msk [tilespmem:v14+s4+$0x0], $0xffff;
	[tilespmem:s22+$0xFFFFFFA0] =	vst v1  }
0xf1: {  	[tilespmem:s22+$0xFFFFFFB0] =	vst v2;
	v8 =	vld.idx.msk [tilespmem:v8+s4+$0x0], $0xffff  }
0xf2: {  	[tilespmem:s22+$0xFFFFFFC0] =	vst v3;
	v0 =	vld.idx.msk [tilespmem:v9+s4+$0x0], $0xffff  }
.Ltmp2:
0xf3: {  	[tilespmem:s22+$0xFFFFFFD0] =	vst v4;
	v1 =	vld.idx.msk [tilespmem:v10+s4+$0x0], $0xffff;
	(pc) =	sbr.rel @p0 .LBB2_7-.Ltmp2, $4  }
0xf4: {  	[tilespmem:s22+$0xFFFFFFE0] =	vst v5;
	v2 =	vld.idx.msk [tilespmem:v11+s4+$0x0], $0xffff  }
0xf5: {  	[tilespmem:s22+$0xFFFFFFF0] =	vst v7;
	v3 =	vld.idx.msk [tilespmem:v12+s4+$0x0], $0xffff  }
0xf6: {  	[tilespmem:s22+$0xFFFFFF80] =	vst v14;
	v4 =	vld.idx.msk [tilespmem:v13+s4+$0x0], $0xffff  }
0xf7: {  	s24 =	sadd.s32 $0x100, s24;
	[tilespmem:s22+$0x0] =	vst v8;
	v5 =	vld.idx.msk [tilespmem:v6+s4+$0x0], $0xffff  }
0xf8: {  	[tilespmem:s22+$0x10] =	vst v0  }
0xf9: {  	[tilespmem:s22+$0x20] =	vst v1  }
0xfa: {  	[tilespmem:s22+$0x30] =	vst v2  }
0xfb: {  	[tilespmem:s22+$0x40] =	vst v3  }
0xfc: {  	[tilespmem:s22+$0x50] =	vst v4  }
0xfd: {  	s30 =	sadd.s32 s21, s8;
	[tilespmem:s22+$0x60] =	vst v5  }
0xfe: {  	[hbm4b:s30+s11] =	stream.strided.scatter [tilespmem:s14], [sflag:$0x1], $0x1000, s12, s11, $0x38;
	[tilespmem:$0x1E700] =	vst v63  }
0xff: {  	_ =	swait.ge [sflag:s17], $0x1000  }
0x100: {  	[sflag:s17] =	ssyncset.done $0x0  }
0x101: {  	s31 =	simm.s32 $0x1B7F0;
	[sflag:s17] =	ssyncadd.s32 $0xFFFFF000  }
0x102: {  	v0 =	vld [tilespmem:s31+$0x0]  }
0x103: {  	v1 =	vld [tilespmem:s31+$0xFFFFFF20]  }
0x104: {  	v2 =	vld [tilespmem:s31+$0xFFFFFF30]  }
0x105: {  	v3 =	vld [tilespmem:s31+$0xFFFFFF40]  }
0x106: {  	v4 =	vld [tilespmem:s31+$0xFFFFFF50]  }
0x107: {  	v5 =	vld [tilespmem:s31+$0xFFFFFF60]  }
0x108: {  	v6 =	vld [tilespmem:s31+$0xFFFFFF70]  }
0x109: {  	v7 =	vld [tilespmem:s31+$0xFFFFFF80]  }
0x10a: {  	v8 =	vld [tilespmem:s31+$0xFFFFFF90]  }
0x10b: {  	v9 =	vld [tilespmem:s31+$0xFFFFFFA0]  }
0x10c: {  	v10 =	vld [tilespmem:s31+$0xFFFFFFB0]  }
0x10d: {  	v11 =	vld [tilespmem:s31+$0xFFFFFFC0]  }
0x10e: {  	v12 =	vld [tilespmem:s31+$0xFFFFFFD0]  }
0x10f: {  	v13 =	vld [tilespmem:s31+$0xFFFFFFE0]  }
0x110: {  	v14 =	vld [tilespmem:s31+$0xFFFFFFF0]  }
0x111: {  	v15 =	vld [tilespmem:s31+$0xFFFFFF10]  }
0x112: {  	v0 =	vld.idx.msk [tilespmem:v0+s4+$0x0], $0xffff  }
0x113: {  	v1 =	vld.idx.msk [tilespmem:v1+s4+$0x0], $0xffff  }
0x114: {  	v2 =	vld.idx.msk [tilespmem:v2+s4+$0x0], $0xffff  }
0x115: {  	v3 =	vld.idx.msk [tilespmem:v3+s4+$0x0], $0xffff  }
0x116: {  	v4 =	vld.idx.msk [tilespmem:v4+s4+$0x0], $0xffff  }
0x117: {  	s22 =	simm.s32 $0x1D780;
	v5 =	vld.idx.msk [tilespmem:v5+s4+$0x0], $0xffff  }
0x118: {  	v6 =	vld.idx.msk [tilespmem:v6+s4+$0x0], $0xffff;
	[tilespmem:s22+$0x70] =	vst v0  }
0x119: {  	v7 =	vld.idx.msk [tilespmem:v7+s4+$0x0], $0xffff;
	[tilespmem:s22+$0xFFFFFF90] =	vst v1  }
0x11a: {  	v15 =	vld.idx.msk [tilespmem:v15+s4+$0x0], $0xffff;
	[tilespmem:s22+$0xFFFFFFA0] =	vst v2  }
0x11b: {  	v8 =	vld.idx.msk [tilespmem:v8+s4+$0x0], $0xffff;
	[tilespmem:s22+$0xFFFFFFB0] =	vst v3  }
0x11c: {  	[tilespmem:s22+$0xFFFFFFC0] =	vst v4;
	v0 =	vld.idx.msk [tilespmem:v9+s4+$0x0], $0xffff  }
0x11d: {  	[tilespmem:s22+$0xFFFFFFD0] =	vst v5;
	v1 =	vld.idx.msk [tilespmem:v10+s4+$0x0], $0xffff  }
0x11e: {  	[tilespmem:s22+$0xFFFFFFE0] =	vst v6;
	v2 =	vld.idx.msk [tilespmem:v11+s4+$0x0], $0xffff  }
0x11f: {  	[tilespmem:s22+$0xFFFFFFF0] =	vst v7;
	v3 =	vld.idx.msk [tilespmem:v12+s4+$0x0], $0xffff  }
0x120: {  	[tilespmem:s22+$0xFFFFFF80] =	vst v15;
	v4 =	vld.idx.msk [tilespmem:v13+s4+$0x0], $0xffff  }
0x121: {  	s23 =	simm.s32 $0x0;
	s24 =	simm.s32 $0x1B8F0;
	[tilespmem:s22+$0x0] =	vst v8;
	v5 =	vld.idx.msk [tilespmem:v14+s4+$0x0], $0xffff  }
.LBB2_9:
0x122: {  	v6 =	vld [tilespmem:s24+$0x0];
	s23 =	sadd.s32 $0x100, s23;
	[tilespmem:s22+$0x10] =	vst v0  }
0x123: {  	v0 =	vld [tilespmem:s24+$0xFFFFFF20];
	p0 =	slt.u32 s23, $0xF00;
	[tilespmem:s22+$0x20] =	vst v1  }
0x124: {  	v1 =	vld [tilespmem:s24+$0xFFFFFF30];
	[tilespmem:s22+$0x30] =	vst v2  }
0x125: {  	v2 =	vld [tilespmem:s24+$0xFFFFFF40];
	[tilespmem:s22+$0x40] =	vst v3  }
0x126: {  	v3 =	vld [tilespmem:s24+$0xFFFFFF50];
	[tilespmem:s22+$0x50] =	vst v4  }
0x127: {  	v4 =	vld [tilespmem:s24+$0xFFFFFF60];
	[tilespmem:s22+$0x60] =	vst v5  }
0x128: {  	v5 =	vld [tilespmem:s24+$0xFFFFFF70]  }
0x129: {  	v7 =	vld [tilespmem:s24+$0xFFFFFF80]  }
0x12a: {  	v6 =	vld.idx.msk [tilespmem:v6+s4+$0x0], $0xffff  }
0x12b: {  	v8 =	vld [tilespmem:s24+$0xFFFFFF90]  }
0x12c: {  	v9 =	vld [tilespmem:s24+$0xFFFFFFA0]  }
0x12d: {  	v10 =	vld [tilespmem:s24+$0xFFFFFFB0]  }
0x12e: {  	v11 =	vld [tilespmem:s24+$0xFFFFFFC0]  }
0x12f: {  	s22 =	sadd.s32 $0x100, s22;
	v12 =	vld [tilespmem:s24+$0xFFFFFFD0]  }
0x130: {  	v13 =	vld [tilespmem:s24+$0xFFFFFFE0];
	[tilespmem:s22+$0x70] =	vst v6  }
0x131: {  	v6 =	vld [tilespmem:s24+$0xFFFFFFF0]  }
0x132: {  	v14 =	vld [tilespmem:s24+$0xFFFFFF10]  }
0x133: {  	v0 =	vld.idx.msk [tilespmem:v0+s4+$0x0], $0xffff  }
0x134: {  	v1 =	vld.idx.msk [tilespmem:v1+s4+$0x0], $0xffff  }
0x135: {  	v2 =	vld.idx.msk [tilespmem:v2+s4+$0x0], $0xffff  }
0x136: {  	v3 =	vld.idx.msk [tilespmem:v3+s4+$0x0], $0xffff  }
0x137: {  	v4 =	vld.idx.msk [tilespmem:v4+s4+$0x0], $0xffff  }
0x138: {  	v5 =	vld.idx.msk [tilespmem:v5+s4+$0x0], $0xffff  }
0x139: {  	[tilespmem:s22+$0xFFFFFF90] =	vst v0;
	v7 =	vld.idx.msk [tilespmem:v7+s4+$0x0], $0xffff  }
0x13a: {  	v14 =	vld.idx.msk [tilespmem:v14+s4+$0x0], $0xffff;
	[tilespmem:s22+$0xFFFFFFA0] =	vst v1  }
0x13b: {  	[tilespmem:s22+$0xFFFFFFB0] =	vst v2;
	v8 =	vld.idx.msk [tilespmem:v8+s4+$0x0], $0xffff  }
0x13c: {  	[tilespmem:s22+$0xFFFFFFC0] =	vst v3;
	v0 =	vld.idx.msk [tilespmem:v9+s4+$0x0], $0xffff  }
.Ltmp3:
0x13d: {  	[tilespmem:s22+$0xFFFFFFD0] =	vst v4;
	v1 =	vld.idx.msk [tilespmem:v10+s4+$0x0], $0xffff;
	(pc) =	sbr.rel @p0 .LBB2_9-.Ltmp3, $4  }
0x13e: {  	[tilespmem:s22+$0xFFFFFFE0] =	vst v5;
	v2 =	vld.idx.msk [tilespmem:v11+s4+$0x0], $0xffff  }
0x13f: {  	[tilespmem:s22+$0xFFFFFFF0] =	vst v7;
	v3 =	vld.idx.msk [tilespmem:v12+s4+$0x0], $0xffff  }
0x140: {  	[tilespmem:s22+$0xFFFFFF80] =	vst v14;
	v4 =	vld.idx.msk [tilespmem:v13+s4+$0x0], $0xffff  }
0x141: {  	s24 =	sadd.s32 $0x100, s24;
	[tilespmem:s22+$0x0] =	vst v8;
	v5 =	vld.idx.msk [tilespmem:v6+s4+$0x0], $0xffff  }
0x142: {  	[tilespmem:s22+$0x10] =	vst v0;
	s19 =	sadd.s32 $0x1, s19  }
0x143: {  	[tilespmem:s22+$0x20] =	vst v1;
	p0 =	sne.s32 s19, $0xD  }
.Ltmp4:
0x144: {  	[tilespmem:s22+$0x30] =	vst v2;
	(pc) =	sbr.rel @p0 .LBB2_2-.Ltmp4, $4  }
0x145: {  	[tilespmem:s22+$0x40] =	vst v3  }
0x146: {  	[tilespmem:s22+$0x50] =	vst v4  }
0x147: {  	s21 =	sadd.s32 s21, s9;
	[tilespmem:s22+$0x60] =	vst v5  }
0x148: {  	[hbm4b:s21+s11] =	stream.strided.scatter [tilespmem:s15], [sflag:$0x2], $0x1000, s12, s11, $0x38;
	[tilespmem:$0x1E700] =	vst v63  }
0x149: {  	s18 =	sadd.s32 $0x1, s18  }
0x14a: {  	_ =	swait.ge [sflag:s16], $0x1000;
	p0 =	sne.s32 s18, s10  }
.Ltmp5:
0x14b: {  	[sflag:s16] =	ssyncset.done $0x0;
	(pc) =	sbr.rel @p0 .LBB2_1-.Ltmp5, $4  }
0x14c: {  	[sflag:s16] =	ssyncadd.s32 $0xFFFFF000  }
0x14d: {  	_ =	swait.ge [sflag:s17], $0x1000  }
0x14e: {  	[sflag:s17] =	ssyncset.done $0x0  }
0x14f: {  	[sflag:s17] =	ssyncadd.s32 $0xFFFFF000  }
0x150: {  	_ =	sfence.sel $0x180000  }
0x151: {  	[bflag:$0x0] =	sbarrier.arrive $0xFFFF  }
0x152: {  	p0 =	sne.s32 s3, $0x0;
	_ =	strace $0x90000047  }
0x153: {  	s0 =	sadd.s32 @!p0 $0x100000, s0;
	[bflag:$0x2] =	sbarrier.arrive $0xFFFF  }
0x154: {  	[sflag:s0] =	ssyncadd.tile.s32 @!p0 $0x1;
	_ =	shalt  }
.Lfunc_end2:
_tile_overlayer_lowered:
.L_overlay_start_2:
0x155: {  	(tag) =	ssettag $0x2  }
0x156: {  	s0 =	rddreg [dreg:$0x0];
	s2 =	stileid.u32  }
0x157: {  	s1 =	rddreg [dreg:$0x1];
	p0 =	sne.s32 s2, $0x0  }
0x158: {  	s3 =	rddreg [dreg:$0x2];
	[bflag:$0x3] =	sbarrier.arrive $0xFFFF;
	s2 =	simm.s32 @!p0 $0x1C04  }
0x159: {  	[timem:s3], [sflag:s2] =	dma.local @!p0 [hbm:s0], s1  }
0x15a: {  	s0 =	simm.s32 @!p0 $0x4  }
0x15b: {  	_ =	swait.ge @!p0 [sflag:s0], s1  }
0x15c: {  	s1 =	ssub.s32 @!p0 $0x0, s1;
	[sflag:s0] =	ssyncset.done @!p0 $0x0  }
0x15d: {  	[sflag:s0] =	ssyncadd.s32 @!p0 s1  }
0x15e: {  	[bflag:$0x3] =	sbarrier.arrive $0xFFFF  }
0x15f: {  	_ =	shalt  }

</sc_bundles>
